<compile_context>
chip_gen: v7x
topology: tpu7x:2x2x1
jax: 0.10.2.dev20260603
libtpu: 0.0.44.dev20260713+nightly
codegen_flags: <defaults>
</compile_context>

<pallas_src>
import jax
import jax.numpy as jnp
from jax import lax
from jax.experimental import pallas as pl
from jax.experimental.pallas import tpu as pltpu
from jax.experimental.pallas import tpu_sc as plsc
import functools

N = 10000
D = 128
H = 128
E = 320000

NC = 2
NS = 16
NW = NC * NS
C = 128
CH = -(-E // (NW * C))
EPT = CH * C
E_PAD = NW * EPT
RPT = 632
N_ACC = NS * RPT

_MESH = plsc.VectorSubcoreMesh(
    core_axis_name="c", subcore_axis_name="s", num_cores=NC, num_subcores=NS)



@functools.partial(
    pl.kernel,
    out_type=[
        jax.ShapeDtypeStruct((NC, N_ACC, H), jnp.float32),
        jax.ShapeDtypeStruct((NC * N_ACC,), jnp.float32),
    ],
    mesh=_MESH,
    scratch_types=[
        pltpu.VMEM((2, C), jnp.int32),
        pltpu.VMEM((C, H), jnp.float32),
        pltpu.VMEM((C,), jnp.float32),
        pltpu.VMEM((RPT,), jnp.float32),
        pltpu.VMEM_SHARED((N_ACC, H), jnp.float32),
        pltpu.VMEM_SHARED((N_ACC,), jnp.float32),
        pltpu.SemaphoreType.DMA,
    ],
)
def _agg_cnt_kernel(h_hbm, idx_hbm, z2_hbm, z1_hbm,
                    sums_out, cnts_out,
                    ij_v, rows_v, ones_v, stage_v, acc_sh, cnt_sh,
                    sem):
    c = lax.axis_index("c")
    s = lax.axis_index("s")
    w = c * NS + s
    r0 = s * RPT
    pltpu.sync_copy(z2_hbm.at[pl.ds(r0, RPT)], acc_sh.at[pl.ds(r0, RPT)])
    pltpu.sync_copy(z1_hbm.at[pl.ds(r0, RPT)], stage_v)
    pltpu.sync_copy(stage_v, cnt_sh.at[pl.ds(r0, RPT)])
    for i in range(C // 16):
        ones_v[pl.ds(i * 16, 16)] = jnp.ones((16,), jnp.float32)
    plsc.subcore_barrier()

    def chunk(j, carry):
        pltpu.sync_copy(idx_hbm.at[w, j], ij_v)
        pltpu.async_copy(h_hbm.at[ij_v.at[0]], rows_v, sem).wait()
        pltpu.sync_copy(rows_v, acc_sh.at[ij_v.at[1]], add=True)
        pltpu.sync_copy(ones_v, cnt_sh.at[ij_v.at[1]], add=True)
        return carry

    lax.fori_loop(0, CH, chunk, 0)
    plsc.subcore_barrier()
    pltpu.sync_copy(acc_sh.at[pl.ds(r0, RPT)], sums_out.at[c, pl.ds(r0, RPT)])
    pltpu.sync_copy(cnt_sh.at[pl.ds(r0, RPT)], stage_v)
    pltpu.sync_copy(stage_v, cnts_out.at[pl.ds(c * N_ACC + r0, RPT)])


@functools.partial(
    pl.kernel,
    out_type=[jax.ShapeDtypeStruct((NC, N_ACC, H), jnp.float32)],
    mesh=_MESH,
    scratch_types=[
        pltpu.VMEM((2, C), jnp.int32),
        pltpu.VMEM((C, H), jnp.float32),
        pltpu.VMEM_SHARED((N_ACC, H), jnp.float32),
        pltpu.SemaphoreType.DMA,
    ],
)
def _agg_kernel(h_hbm, idx_hbm, z2_hbm,
                sums_out, ij_v, rows_v, acc_sh, sem):
    c = lax.axis_index("c")
    s = lax.axis_index("s")
    w = c * NS + s
    r0 = s * RPT
    pltpu.sync_copy(z2_hbm.at[pl.ds(r0, RPT)], acc_sh.at[pl.ds(r0, RPT)])
    plsc.subcore_barrier()

    def chunk(j, carry):
        pltpu.sync_copy(idx_hbm.at[w, j], ij_v)
        pltpu.async_copy(h_hbm.at[ij_v.at[0]], rows_v, sem).wait()
        pltpu.sync_copy(rows_v, acc_sh.at[ij_v.at[1]], add=True)
        return carry

    lax.fori_loop(0, CH, chunk, 0)
    plsc.subcore_barrier()
    pltpu.sync_copy(acc_sh.at[pl.ds(r0, RPT)], sums_out.at[c, pl.ds(r0, RPT)])


BR = 400
GRID = (N // BR,)


def _dotT(a, w):
    return lax.dot_general(a, w, (((1,), (1,)), ((), ())),
                           preferred_element_type=jnp.float32)


def _proj_body(x_ref, w_ref, b_ref, h0_ref, h_ref):
    t = _dotT(x_ref[...], w_ref[...]) + b_ref[...]
    h0_ref[...] = t
    h_ref[...] = jnp.maximum(t, 0.0)


def _proj(x, w1, b1):
    return pl.pallas_call(
        _proj_body,
        grid=GRID,
        in_specs=[
            pl.BlockSpec((BR, D), lambda i: (i, 0)),
            pl.BlockSpec((H, D), lambda i: (0, 0)),
            pl.BlockSpec((1, H), lambda i: (0, 0)),
        ],
        out_specs=[pl.BlockSpec((BR, H), lambda i: (i, 0))] * 2,
        out_shape=[jax.ShapeDtypeStruct((N, H), jnp.float32)] * 2,
    )(x, w1, b1.reshape(1, H))


def _mix0_body(s_ref, c_ref, h_ref, wl_ref, bl_ref, wr_ref, o_ref):
    cnt = c_ref[0] + c_ref[1]
    inv = 1.0 / jnp.maximum(cnt, 1.0)
    mean = (s_ref[0] + s_ref[1]) * inv
    o = _dotT(mean, wl_ref[...]) + bl_ref[...] + _dotT(h_ref[...], wr_ref[...])
    o_ref[...] = jnp.maximum(o, 0.0)


def _mix0(sums, cnts3, h, wl, bl, wr):
    return pl.pallas_call(
        _mix0_body,
        grid=GRID,
        in_specs=[
            pl.BlockSpec((NC, BR, H), lambda i: (0, i, 0)),
            pl.BlockSpec((NC, BR, 1), lambda i: (0, i, 0)),
            pl.BlockSpec((BR, H), lambda i: (i, 0)),
            pl.BlockSpec((H, H), lambda i: (0, 0)),
            pl.BlockSpec((1, H), lambda i: (0, 0)),
            pl.BlockSpec((H, H), lambda i: (0, 0)),
        ],
        out_specs=pl.BlockSpec((BR, H), lambda i: (i, 0)),
        out_shape=jax.ShapeDtypeStruct((N, H), jnp.float32),
    )(sums, cnts3, h, wl, bl.reshape(1, H), wr)


def _mix1_body(s_ref, c_ref, h_ref, wl_ref, bl_ref, wr_ref, id_ref, o_ref):
    cnt = c_ref[0] + c_ref[1]
    inv = 1.0 / jnp.maximum(cnt, 1.0)
    mean = (s_ref[0] + s_ref[1]) * inv
    o = _dotT(mean, wl_ref[...]) + bl_ref[...] + _dotT(h_ref[...], wr_ref[...])
    o_ref[...] = jnp.maximum(jnp.maximum(o, 0.0) + id_ref[...], 0.0)


def _mix1(sums, cnts3, h, wl, bl, wr, identity):
    return pl.pallas_call(
        _mix1_body,
        grid=GRID,
        in_specs=[
            pl.BlockSpec((NC, BR, H), lambda i: (0, i, 0)),
            pl.BlockSpec((NC, BR, 1), lambda i: (0, i, 0)),
            pl.BlockSpec((BR, H), lambda i: (i, 0)),
            pl.BlockSpec((H, H), lambda i: (0, 0)),
            pl.BlockSpec((1, H), lambda i: (0, 0)),
            pl.BlockSpec((H, H), lambda i: (0, 0)),
            pl.BlockSpec((BR, H), lambda i: (i, 0)),
        ],
        out_specs=pl.BlockSpec((BR, H), lambda i: (i, 0)),
        out_shape=jax.ShapeDtypeStruct((N, H), jnp.float32),
    )(sums, cnts3, h, wl, bl.reshape(1, H), wr, identity)


def kernel(x, edge_index, W1, b1, Wl0, bl0, Wr0, Wl1, bl1, Wr1):
    src = edge_index[0].astype(jnp.int32)
    dst = edge_index[1].astype(jnp.int32)
    pad = E_PAD - E
    src = jnp.concatenate([src, jnp.zeros((pad,), jnp.int32)])
    dst = jnp.concatenate([dst, jnp.full((pad,), N, jnp.int32)])
    idx = jnp.concatenate([src.reshape(NW, CH, 1, C),
                           dst.reshape(NW, CH, 1, C)], axis=2)
    z2 = jnp.zeros((N_ACC, H), jnp.float32)
    z1 = jnp.zeros((N_ACC,), jnp.float32)

    h0, h = _proj(x, W1, b1)
    sums0, cnts = _agg_cnt_kernel(h, idx, z2, z1)
    cnts3 = cnts.reshape(NC, N_ACC, 1)
    h1 = _mix0(sums0, cnts3, h, Wl0, bl0, Wr0)
    (sums1,) = _agg_kernel(h1, idx, z2)
    out = _mix1(sums1, cnts3, h1, Wl1, bl1, Wr1, h0)
    return out

# --- scband reference (transcript-rebuilt; emitter-appended) ---
"""Pipeline reference for scband-gnn-72198400246104 (READ-ONLY COPY).

The authoritative reference and input builder live on the scoring server;
editing this copy changes nothing except your own understanding.
"""

import jax, jax.numpy as jnp
import numpy as np

N = 10000
E = 320000
D = 128
H = 128


def setup_inputs(seed: int = 0) -> dict:
    key = jax.random.key(seed)
    ks = jax.random.split(key, 12)
    x = jax.random.normal(ks[0], (N, D), dtype=jnp.float32)
    edge_index = jax.random.randint(ks[1], (2, E), 0, N, dtype=jnp.int32).astype(jnp.int64)
    s_in = 1.0 / np.sqrt(D)
    s_h = 1.0 / np.sqrt(H)
    W1 = jax.random.uniform(ks[2], (H, D), jnp.float32, -s_in, s_in)
    b1 = jax.random.uniform(ks[3], (H,), jnp.float32, -s_in, s_in)
    Wl0 = jax.random.uniform(ks[4], (H, H), jnp.float32, -s_h, s_h)
    bl0 = jax.random.uniform(ks[5], (H,), jnp.float32, -s_h, s_h)
    Wr0 = jax.random.uniform(ks[6], (H, H), jnp.float32, -s_h, s_h)
    Wl1 = jax.random.uniform(ks[7], (H, H), jnp.float32, -s_h, s_h)
    bl1 = jax.random.uniform(ks[8], (H,), jnp.float32, -s_h, s_h)
    Wr1 = jax.random.uniform(ks[9], (H, H), jnp.float32, -s_h, s_h)
    return {"x": x, "edge_index": edge_index, "W1": W1, "b1": b1,
            "Wl0": Wl0, "bl0": bl0, "Wr0": Wr0,
            "Wl1": Wl1, "bl1": bl1, "Wr1": Wr1}


def _sage_conv(x, edge_index, Wl, bl, Wr):
    # PyG SAGEConv(aggr='mean'): out = lin_l(mean_{j in N(i)} x_j) + lin_r(x_i)
    src = edge_index[0]
    dst = edge_index[1]
    msg = x[src]
    summed = jax.ops.segment_sum(msg, dst, num_segments=N)
    cnt = jax.ops.segment_sum(jnp.ones((edge_index.shape[1],), x.dtype), dst, num_segments=N)
    mean = summed / jnp.clip(cnt, 1.0, None)[:, None]
    return mean @ Wl.T + bl + x @ Wr.T


def reference(x, edge_index, W1, b1, Wl0, bl0, Wr0, Wl1, bl1, Wr1):
    # eval mode: all dropout / DropEdge are no-ops
    h = x @ W1.T + b1              # skip-connection input projection
    identity = h
    h = jax.nn.relu(h)
    h = jax.nn.relu(_sage_conv(h, edge_index, Wl0, bl0, Wr0))
    h = _sage_conv(h, edge_index, Wl1, bl1, Wr1)
    h = jax.nn.relu(h)
    h = jax.nn.relu(h + identity)
    return h

if __name__ == "__main__":
    import jax
    _d = setup_inputs()
    print(jax.jit(kernel)(*tuple(_d.values())))

</pallas_src>

<mosaic_0001>
#map = affine_map<(d0, d1) -> (0, 0)>
#map1 = affine_map<(d0, d1) -> (0, 0, 0, 0)>
#map2 = affine_map<(d0, d1) -> (0)>
#map3 = affine_map<(d0, d1) -> (0, 0, 0)>
module attributes {stable_mosaic.version = 14 : i64} {
  func.func @_agg_cnt_kernel(%arg0: i32, %arg1: i32, %arg2: memref<10000x128xf32, #tpu.memory_space<hbm>>, %arg3: memref<32x79x2x128xi32, #tpu.memory_space<hbm>>, %arg4: memref<10112x128xf32, #tpu.memory_space<hbm>>, %arg5: memref<10112xf32, #tpu.memory_space<hbm>>, %arg6: memref<2x10112x128xf32, #tpu.memory_space<hbm>>, %arg7: memref<20224xf32, #tpu.memory_space<hbm>>, %arg8: memref<2x128xi32, #tpu.memory_space<vmem>>, %arg9: memref<128x128xf32, #tpu.memory_space<vmem>>, %arg10: memref<128xf32, #tpu.memory_space<vmem>>, %arg11: memref<632xf32, #tpu.memory_space<vmem>>, %arg12: memref<10112x128xf32, #tpu.memory_space<vmem_shared>>, %arg13: memref<10112xf32, #tpu.memory_space<vmem_shared>>, %arg14: memref<!tpu.dma_semaphore, #tpu.memory_space<semaphore_mem>>) attributes {dimension_semantics = [#tpu.dimension_semantics<core_parallel>, #tpu.dimension_semantics<subcore_parallel>], iteration_bounds = array<i64: 2, 16>, scalar_prefetch = 0 : i64, scratch_operands = 7 : i64, tpu.core_type = #tpu.core_type<sc_vector_subcore>, window_params = [{transform_indices = #map}, {transform_indices = #map1}, {transform_indices = #map}, {transform_indices = #map2}, {transform_indices = #map3}, {transform_indices = #map2}]} {
    %mul3A = arith.constant 16 : i32
    %mul3A_0 = arith.muli %arg0, %mul3A : i32
    %add3A = arith.addi %mul3A_0, %arg1 : i32
    %mul3A_1 = arith.constant 632 : i32
    %mul3A_2 = arith.muli %arg1, %mul3A_1 : i32
    "tpu.region"() ({
      %run_scoped3A = tpu.sem_alloc : memref<!tpu.dma_semaphore, #tpu.memory_space<semaphore_mem>>
      %dma_start3A = arith.constant 0 : i32
      %dma_start3A_58 = tpu.memref_slice %arg12[%mul3A_2, %dma_start3A] : memref<10112x128xf32, #tpu.memory_space<vmem_shared>> -> memref<632x128xf32, #tpu.memory_space<vmem_shared>>
      %dma_start3A_59 = arith.constant 0 : i32
      %dma_start3A_60 = tpu.memref_slice %arg4[%mul3A_2, %dma_start3A_59] : memref<10112x128xf32, #tpu.memory_space<hbm>> -> memref<632x128xf32, #tpu.memory_space<hbm>>
      tpu.enqueue_dma source(%dma_start3A_60 : memref<632x128xf32, #tpu.memory_space<hbm>>) target(%dma_start3A_58 : memref<632x128xf32, #tpu.memory_space<vmem_shared>>) target_semaphore(%run_scoped3A : memref<!tpu.dma_semaphore, #tpu.memory_space<semaphore_mem>>)
      %dma_wait3A = arith.constant 0 : i32
      %dma_wait3A_61 = tpu.memref_slice %arg12[%mul3A_2, %dma_wait3A] : memref<10112x128xf32, #tpu.memory_space<vmem_shared>> -> memref<632x128xf32, #tpu.memory_space<vmem_shared>>
      %dma_wait3A_62 = arith.constant 0 : i32
      %dma_wait3A_63 = tpu.memref_slice %arg4[%mul3A_2, %dma_wait3A_62] : memref<10112x128xf32, #tpu.memory_space<hbm>> -> memref<632x128xf32, #tpu.memory_space<hbm>>
      tpu.wait_dma2 semaphore(%run_scoped3A : memref<!tpu.dma_semaphore, #tpu.memory_space<semaphore_mem>>) src(%dma_wait3A_63 : memref<632x128xf32, #tpu.memory_space<hbm>>) dst(%dma_wait3A_61 : memref<632x128xf32, #tpu.memory_space<vmem_shared>>)
      tpu.yield
    }) : () -> ()
    "tpu.region"() ({
      %run_scoped3A = tpu.sem_alloc : memref<!tpu.dma_semaphore, #tpu.memory_space<semaphore_mem>>
      %dma_start3A = tpu.memref_slice %arg5[%mul3A_2] : memref<10112xf32, #tpu.memory_space<hbm>> -> memref<632xf32, #tpu.memory_space<hbm>>
      %dma_start3A_58 = tpu.memref_slice %arg5[%mul3A_2] : memref<10112xf32, #tpu.memory_space<hbm>> -> memref<632xf32, #tpu.memory_space<hbm>>
      tpu.enqueue_dma source(%dma_start3A_58 : memref<632xf32, #tpu.memory_space<hbm>>) target(%arg11 : memref<632xf32, #tpu.memory_space<vmem>>) target_semaphore(%run_scoped3A : memref<!tpu.dma_semaphore, #tpu.memory_space<semaphore_mem>>)
      %dma_wait3A = tpu.memref_slice %arg5[%mul3A_2] : memref<10112xf32, #tpu.memory_space<hbm>> -> memref<632xf32, #tpu.memory_space<hbm>>
      %dma_wait3A_59 = tpu.memref_slice %arg5[%mul3A_2] : memref<10112xf32, #tpu.memory_space<hbm>> -> memref<632xf32, #tpu.memory_space<hbm>>
      tpu.wait_dma2 semaphore(%run_scoped3A : memref<!tpu.dma_semaphore, #tpu.memory_space<semaphore_mem>>) src(%dma_wait3A_59 : memref<632xf32, #tpu.memory_space<hbm>>) dst(%arg11 : memref<632xf32, #tpu.memory_space<vmem>>)
      tpu.yield
    }) : () -> ()
    "tpu.region"() ({
      %run_scoped3A = tpu.sem_alloc : memref<!tpu.dma_semaphore, #tpu.memory_space<semaphore_mem>>
      %dma_start3A = tpu.memref_slice %arg13[%mul3A_2] : memref<10112xf32, #tpu.memory_space<vmem_shared>> -> memref<632xf32, #tpu.memory_space<vmem_shared>>
      %dma_start3A_58 = tpu.memref_slice %arg13[%mul3A_2] : memref<10112xf32, #tpu.memory_space<vmem_shared>> -> memref<632xf32, #tpu.memory_space<vmem_shared>>
      tpu.enqueue_dma source(%arg11 : memref<632xf32, #tpu.memory_space<vmem>>) target(%dma_start3A_58 : memref<632xf32, #tpu.memory_space<vmem_shared>>) target_semaphore(%run_scoped3A : memref<!tpu.dma_semaphore, #tpu.memory_space<semaphore_mem>>)
      %dma_wait3A = tpu.memref_slice %arg13[%mul3A_2] : memref<10112xf32, #tpu.memory_space<vmem_shared>> -> memref<632xf32, #tpu.memory_space<vmem_shared>>
      %dma_wait3A_59 = tpu.memref_slice %arg13[%mul3A_2] : memref<10112xf32, #tpu.memory_space<vmem_shared>> -> memref<632xf32, #tpu.memory_space<vmem_shared>>
      tpu.wait_dma2 semaphore(%run_scoped3A : memref<!tpu.dma_semaphore, #tpu.memory_space<semaphore_mem>>) src(%arg11 : memref<632xf32, #tpu.memory_space<vmem>>) dst(%dma_wait3A_59 : memref<632xf32, #tpu.memory_space<vmem_shared>>)
      tpu.yield
    }) : () -> ()
    %broadcast_in_dim3A = arith.constant 1.000000e+00 : f32
    %broadcast_in_dim3A_3 = vector.broadcast %broadcast_in_dim3A : f32 to vector<16xf32>
    %swap3A = arith.constant 0 : index
    %swap3A_4 = tpu.vector_load %arg10[%swap3A] {strides = array<i32>} : memref<128xf32, #tpu.memory_space<vmem>>, vector<16xf32>,
    %swap3A_5 = vector.shape_cast %swap3A_4 : vector<16xf32> to vector<16xf32>
    %swap3A_6 = vector.shape_cast %broadcast_in_dim3A_3 : vector<16xf32> to vector<16xf32>
    tpu.vector_store %arg10[%swap3A], %swap3A_6 {strides = array<i32>} : memref<128xf32, #tpu.memory_space<vmem>>, vector<16xf32>,
    %broadcast_in_dim3A_7 = arith.constant 1.000000e+00 : f32
    %broadcast_in_dim3A_8 = vector.broadcast %broadcast_in_dim3A_7 : f32 to vector<16xf32>
    %swap3A_9 = arith.constant 16 : index
    %swap3A_10 = tpu.vector_load %arg10[%swap3A_9] {strides = array<i32>} : memref<128xf32, #tpu.memory_space<vmem>>, vector<16xf32>,
    %swap3A_11 = vector.shape_cast %swap3A_10 : vector<16xf32> to vector<16xf32>
    %swap3A_12 = vector.shape_cast %broadcast_in_dim3A_8 : vector<16xf32> to vector<16xf32>
    tpu.vector_store %arg10[%swap3A_9], %swap3A_12 {strides = array<i32>} : memref<128xf32, #tpu.memory_space<vmem>>, vector<16xf32>,
    %broadcast_in_dim3A_13 = arith.constant 1.000000e+00 : f32
    %broadcast_in_dim3A_14 = vector.broadcast %broadcast_in_dim3A_13 : f32 to vector<16xf32>
    %swap3A_15 = arith.constant 32 : index
    %swap3A_16 = tpu.vector_load %arg10[%swap3A_15] {strides = array<i32>} : memref<128xf32, #tpu.memory_space<vmem>>, vector<16xf32>,
    %swap3A_17 = vector.shape_cast %swap3A_16 : vector<16xf32> to vector<16xf32>
    %swap3A_18 = vector.shape_cast %broadcast_in_dim3A_14 : vector<16xf32> to vector<16xf32>
    tpu.vector_store %arg10[%swap3A_15], %swap3A_18 {strides = array<i32>} : memref<128xf32, #tpu.memory_space<vmem>>, vector<16xf32>,
    %broadcast_in_dim3A_19 = arith.constant 1.000000e+00 : f32
    %broadcast_in_dim3A_20 = vector.broadcast %broadcast_in_dim3A_19 : f32 to vector<16xf32>
    %swap3A_21 = arith.constant 48 : index
    %swap3A_22 = tpu.vector_load %arg10[%swap3A_21] {strides = array<i32>} : memref<128xf32, #tpu.memory_space<vmem>>, vector<16xf32>,
    %swap3A_23 = vector.shape_cast %swap3A_22 : vector<16xf32> to vector<16xf32>
    %swap3A_24 = vector.shape_cast %broadcast_in_dim3A_20 : vector<16xf32> to vector<16xf32>
    tpu.vector_store %arg10[%swap3A_21], %swap3A_24 {strides = array<i32>} : memref<128xf32, #tpu.memory_space<vmem>>, vector<16xf32>,
    %broadcast_in_dim3A_25 = arith.constant 1.000000e+00 : f32
    %broadcast_in_dim3A_26 = vector.broadcast %broadcast_in_dim3A_25 : f32 to vector<16xf32>
    %swap3A_27 = arith.constant 64 : index
    %swap3A_28 = tpu.vector_load %arg10[%swap3A_27] {strides = array<i32>} : memref<128xf32, #tpu.memory_space<vmem>>, vector<16xf32>,
    %swap3A_29 = vector.shape_cast %swap3A_28 : vector<16xf32> to vector<16xf32>
    %swap3A_30 = vector.shape_cast %broadcast_in_dim3A_26 : vector<16xf32> to vector<16xf32>
    tpu.vector_store %arg10[%swap3A_27], %swap3A_30 {strides = array<i32>} : memref<128xf32, #tpu.memory_space<vmem>>, vector<16xf32>,
    %broadcast_in_dim3A_31 = arith.constant 1.000000e+00 : f32
    %broadcast_in_dim3A_32 = vector.broadcast %broadcast_in_dim3A_31 : f32 to vector<16xf32>
    %swap3A_33 = arith.constant 80 : index
    %swap3A_34 = tpu.vector_load %arg10[%swap3A_33] {strides = array<i32>} : memref<128xf32, #tpu.memory_space<vmem>>, vector<16xf32>,
    %swap3A_35 = vector.shape_cast %swap3A_34 : vector<16xf32> to vector<16xf32>
    %swap3A_36 = vector.shape_cast %broadcast_in_dim3A_32 : vector<16xf32> to vector<16xf32>
    tpu.vector_store %arg10[%swap3A_33], %swap3A_36 {strides = array<i32>} : memref<128xf32, #tpu.memory_space<vmem>>, vector<16xf32>,
    %broadcast_in_dim3A_37 = arith.constant 1.000000e+00 : f32
    %broadcast_in_dim3A_38 = vector.broadcast %broadcast_in_dim3A_37 : f32 to vector<16xf32>
    %swap3A_39 = arith.constant 96 : index
    %swap3A_40 = tpu.vector_load %arg10[%swap3A_39] {strides = array<i32>} : memref<128xf32, #tpu.memory_space<vmem>>, vector<16xf32>,
    %swap3A_41 = vector.shape_cast %swap3A_40 : vector<16xf32> to vector<16xf32>
    %swap3A_42 = vector.shape_cast %broadcast_in_dim3A_38 : vector<16xf32> to vector<16xf32>
    tpu.vector_store %arg10[%swap3A_39], %swap3A_42 {strides = array<i32>} : memref<128xf32, #tpu.memory_space<vmem>>, vector<16xf32>,
    %broadcast_in_dim3A_43 = arith.constant 1.000000e+00 : f32
    %broadcast_in_dim3A_44 = vector.broadcast %broadcast_in_dim3A_43 : f32 to vector<16xf32>
    %swap3A_45 = arith.constant 112 : index
    %swap3A_46 = tpu.vector_load %arg10[%swap3A_45] {strides = array<i32>} : memref<128xf32, #tpu.memory_space<vmem>>, vector<16xf32>,
    %swap3A_47 = vector.shape_cast %swap3A_46 : vector<16xf32> to vector<16xf32>
    %swap3A_48 = vector.shape_cast %broadcast_in_dim3A_44 : vector<16xf32> to vector<16xf32>
    tpu.vector_store %arg10[%swap3A_45], %swap3A_48 {strides = array<i32>} : memref<128xf32, #tpu.memory_space<vmem>>, vector<16xf32>,
    %barrier3A = arith.constant 0 : index
    tpu.barrier barrier_id(%barrier3A)
    %scan3A = arith.constant 0 : i32
    %scan3A_49 = arith.constant 0 : i32
    %scan3A_50 = arith.constant 79 : i32
    %scan3A_51 = arith.addi %scan3A_49, %scan3A_50 : i32
    %scan3A_52 = arith.constant 1 : i32
    scf.for %scan3A_58 = %scan3A_49 to %scan3A_51 step %scan3A_52  : i32 {
      "tpu.region"() ({
        %run_scoped3A_72 = tpu.sem_alloc : memref<!tpu.dma_semaphore, #tpu.memory_space<semaphore_mem>>
        %dma_start3A_73 = arith.constant 0 : i32
        %dma_start3A_74 = arith.constant 0 : i32
        %dma_start3A_75 = tpu.memref_slice %arg3[%add3A, %scan3A_58, %dma_start3A_73, %dma_start3A_74] : memref<32x79x2x128xi32, #tpu.memory_space<hbm>> -> memref<1x1x2x128xi32, #tpu.memory_space<hbm>>
        %dma_start3A_76 = tpu.memref_squeeze %dma_start3A_75 : memref<1x1x2x128xi32, #tpu.memory_space<hbm>> -> memref<2x128xi32, #tpu.memory_space<hbm>>
        %dma_start3A_77 = arith.constant 0 : i32
        %dma_start3A_78 = arith.constant 0 : i32
        %dma_start3A_79 = tpu.memref_slice %arg3[%add3A, %scan3A_58, %dma_start3A_77, %dma_start3A_78] : memref<32x79x2x128xi32, #tpu.memory_space<hbm>> -> memref<1x1x2x128xi32, #tpu.memory_space<hbm>>
        %dma_start3A_80 = tpu.memref_squeeze %dma_start3A_79 : memref<1x1x2x128xi32, #tpu.memory_space<hbm>> -> memref<2x128xi32, #tpu.memory_space<hbm>>
        tpu.enqueue_dma source(%dma_start3A_80 : memref<2x128xi32, #tpu.memory_space<hbm>>) target(%arg8 : memref<2x128xi32, #tpu.memory_space<vmem>>) target_semaphore(%run_scoped3A_72 : memref<!tpu.dma_semaphore, #tpu.memory_space<semaphore_mem>>)
        %dma_wait3A_81 = arith.constant 0 : i32
        %dma_wait3A_82 = arith.constant 0 : i32
        %dma_wait3A_83 = tpu.memref_slice %arg3[%add3A, %scan3A_58, %dma_wait3A_81, %dma_wait3A_82] : memref<32x79x2x128xi32, #tpu.memory_space<hbm>> -> memref<1x1x2x128xi32, #tpu.memory_space<hbm>>
        %dma_wait3A_84 = tpu.memref_squeeze %dma_wait3A_83 : memref<1x1x2x128xi32, #tpu.memory_space<hbm>> -> memref<2x128xi32, #tpu.memory_space<hbm>>
        %dma_wait3A_85 = arith.constant 0 : i32
        %dma_wait3A_86 = arith.constant 0 : i32
        %dma_wait3A_87 = tpu.memref_slice %arg3[%add3A, %scan3A_58, %dma_wait3A_85, %dma_wait3A_86] : memref<32x79x2x128xi32, #tpu.memory_space<hbm>> -> memref<1x1x2x128xi32, #tpu.memory_space<hbm>>
        %dma_wait3A_88 = tpu.memref_squeeze %dma_wait3A_87 : memref<1x1x2x128xi32, #tpu.memory_space<hbm>> -> memref<2x128xi32, #tpu.memory_space<hbm>>
        tpu.wait_dma2 semaphore(%run_scoped3A_72 : memref<!tpu.dma_semaphore, #tpu.memory_space<semaphore_mem>>) src(%dma_wait3A_88 : memref<2x128xi32, #tpu.memory_space<hbm>>) dst(%arg8 : memref<2x128xi32, #tpu.memory_space<vmem>>)
        tpu.yield
      }) : () -> ()
      %dma_start3A = arith.constant 0 : i32
      %dma_start3A_59 = arith.constant 0 : i32
      %dma_start3A_60 = tpu.memref_slice %arg8[%dma_start3A, %dma_start3A_59] : memref<2x128xi32, #tpu.memory_space<vmem>> -> memref<1x128xi32, #tpu.memory_space<vmem>>
      %dma_start3A_61 = tpu.memref_squeeze %dma_start3A_60 : memref<1x128xi32, #tpu.memory_space<vmem>> -> memref<128xi32, #tpu.memory_space<vmem>>
      %dma_start3A_62 = arith.constant 0 : i32
      %dma_start3A_63 = arith.constant 0 : i32
      %dma_start3A_64 = tpu.memref_slice %arg2[%dma_start3A_62, %dma_start3A_63] : memref<10000x128xf32, #tpu.memory_space<hbm>> -> memref<10000x128xf32, #tpu.memory_space<hbm>>
      tpu.enqueue_indirect_dma source(%dma_start3A_64 : memref<10000x128xf32, #tpu.memory_space<hbm>>) target(%arg9 : memref<128x128xf32, #tpu.memory_space<vmem>>) offsets(%dma_start3A_61 : memref<128xi32, #tpu.memory_space<vmem>>) semaphore(%arg14 : memref<!tpu.dma_semaphore, #tpu.memory_space<semaphore_mem>>)
      %dma_wait3A = arith.constant 0 : i32
      %dma_wait3A_65 = arith.constant 0 : i32
      %dma_wait3A_66 = tpu.memref_slice %arg8[%dma_wait3A, %dma_wait3A_65] : memref<2x128xi32, #tpu.memory_space<vmem>> -> memref<1x128xi32, #tpu.memory_space<vmem>>
      %dma_wait3A_67 = tpu.memref_squeeze %dma_wait3A_66 : memref<1x128xi32, #tpu.memory_space<vmem>> -> memref<128xi32, #tpu.memory_space<vmem>>
      %dma_wait3A_68 = arith.constant 0 : i32
      %dma_wait3A_69 = arith.constant 0 : i32
      %dma_wait3A_70 = tpu.memref_slice %arg2[%dma_wait3A_68, %dma_wait3A_69] : memref<10000x128xf32, #tpu.memory_space<hbm>> -> memref<10000x128xf32, #tpu.memory_space<hbm>>
      tpu.wait_indirect_dma semaphore(%arg14 : memref<!tpu.dma_semaphore, #tpu.memory_space<semaphore_mem>>) src(%dma_wait3A_70 : memref<10000x128xf32, #tpu.memory_space<hbm>>) dst(%arg9 : memref<128x128xf32, #tpu.memory_space<vmem>>)
      %run_scoped3A = arith.constant 1 : i32
      "tpu.region"() ({
        %run_scoped3A_72 = tpu.sem_alloc : memref<!tpu.dma_semaphore, #tpu.memory_space<semaphore_mem>>
        %dma_start3A_73 = arith.constant 0 : i32
        %dma_start3A_74 = tpu.memref_slice %arg8[%run_scoped3A, %dma_start3A_73] : memref<2x128xi32, #tpu.memory_space<vmem>> -> memref<1x128xi32, #tpu.memory_space<vmem>>
        %dma_start3A_75 = tpu.memref_squeeze %dma_start3A_74 : memref<1x128xi32, #tpu.memory_space<vmem>> -> memref<128xi32, #tpu.memory_space<vmem>>
        %dma_start3A_76 = arith.constant 0 : i32
        %dma_start3A_77 = arith.constant 0 : i32
        %dma_start3A_78 = tpu.memref_slice %arg12[%dma_start3A_76, %dma_start3A_77] : memref<10112x128xf32, #tpu.memory_space<vmem_shared>> -> memref<10112x128xf32, #tpu.memory_space<vmem_shared>>
        tpu.enqueue_indirect_dma source(%arg9 : memref<128x128xf32, #tpu.memory_space<vmem>>) target(%dma_start3A_78 : memref<10112x128xf32, #tpu.memory_space<vmem_shared>>) offsets(%dma_start3A_75 : memref<128xi32, #tpu.memory_space<vmem>>) semaphore(%run_scoped3A_72 : memref<!tpu.dma_semaphore, #tpu.memory_space<semaphore_mem>>) {add = true}
        %dma_wait3A_79 = arith.constant 0 : i32
        %dma_wait3A_80 = tpu.memref_slice %arg8[%run_scoped3A, %dma_wait3A_79] : memref<2x128xi32, #tpu.memory_space<vmem>> -> memref<1x128xi32, #tpu.memory_space<vmem>>
        %dma_wait3A_81 = tpu.memref_squeeze %dma_wait3A_80 : memref<1x128xi32, #tpu.memory_space<vmem>> -> memref<128xi32, #tpu.memory_space<vmem>>
        %dma_wait3A_82 = arith.constant 0 : i32
        %dma_wait3A_83 = arith.constant 0 : i32
        %dma_wait3A_84 = tpu.memref_slice %arg12[%dma_wait3A_82, %dma_wait3A_83] : memref<10112x128xf32, #tpu.memory_space<vmem_shared>> -> memref<10112x128xf32, #tpu.memory_space<vmem_shared>>
        tpu.wait_indirect_dma semaphore(%run_scoped3A_72 : memref<!tpu.dma_semaphore, #tpu.memory_space<semaphore_mem>>) src(%arg9 : memref<128x128xf32, #tpu.memory_space<vmem>>) dst(%dma_wait3A_84 : memref<10112x128xf32, #tpu.memory_space<vmem_shared>>)
        tpu.yield
      }) : () -> ()
      %run_scoped3A_71 = arith.constant 1 : i32
      "tpu.region"() ({
        %run_scoped3A_72 = tpu.sem_alloc : memref<!tpu.dma_semaphore, #tpu.memory_space<semaphore_mem>>
        %dma_start3A_73 = arith.constant 0 : i32
        %dma_start3A_74 = tpu.memref_slice %arg8[%run_scoped3A_71, %dma_start3A_73] : memref<2x128xi32, #tpu.memory_space<vmem>> -> memref<1x128xi32, #tpu.memory_space<vmem>>
        %dma_start3A_75 = tpu.memref_squeeze %dma_start3A_74 : memref<1x128xi32, #tpu.memory_space<vmem>> -> memref<128xi32, #tpu.memory_space<vmem>>
        %dma_start3A_76 = arith.constant 0 : i32
        %dma_start3A_77 = tpu.memref_slice %arg13[%dma_start3A_76] : memref<10112xf32, #tpu.memory_space<vmem_shared>> -> memref<10112xf32, #tpu.memory_space<vmem_shared>>
        tpu.enqueue_indirect_dma source(%arg10 : memref<128xf32, #tpu.memory_space<vmem>>) target(%dma_start3A_77 : memref<10112xf32, #tpu.memory_space<vmem_shared>>) offsets(%dma_start3A_75 : memref<128xi32, #tpu.memory_space<vmem>>) semaphore(%run_scoped3A_72 : memref<!tpu.dma_semaphore, #tpu.memory_space<semaphore_mem>>) {add = true}
        %dma_wait3A_78 = arith.constant 0 : i32
        %dma_wait3A_79 = tpu.memref_slice %arg8[%run_scoped3A_71, %dma_wait3A_78] : memref<2x128xi32, #tpu.memory_space<vmem>> -> memref<1x128xi32, #tpu.memory_space<vmem>>
        %dma_wait3A_80 = tpu.memref_squeeze %dma_wait3A_79 : memref<1x128xi32, #tpu.memory_space<vmem>> -> memref<128xi32, #tpu.memory_space<vmem>>
        %dma_wait3A_81 = arith.constant 0 : i32
        %dma_wait3A_82 = tpu.memref_slice %arg13[%dma_wait3A_81] : memref<10112xf32, #tpu.memory_space<vmem_shared>> -> memref<10112xf32, #tpu.memory_space<vmem_shared>>
        tpu.wait_indirect_dma semaphore(%run_scoped3A_72 : memref<!tpu.dma_semaphore, #tpu.memory_space<semaphore_mem>>) src(%arg10 : memref<128xf32, #tpu.memory_space<vmem>>) dst(%dma_wait3A_82 : memref<10112xf32, #tpu.memory_space<vmem_shared>>)
        tpu.yield
      }) : () -> ()
    }
    %scan3A_53 = arith.constant 79 : i32
    %barrier3A_54 = arith.constant 0 : index
    tpu.barrier barrier_id(%barrier3A_54)
    "tpu.region"() ({
      %run_scoped3A = tpu.sem_alloc : memref<!tpu.dma_semaphore, #tpu.memory_space<semaphore_mem>>
      %dma_start3A = arith.constant 0 : i32
      %dma_start3A_58 = tpu.memref_slice %arg6[%arg0, %mul3A_2, %dma_start3A] : memref<2x10112x128xf32, #tpu.memory_space<hbm>> -> memref<1x632x128xf32, #tpu.memory_space<hbm>>
      %dma_start3A_59 = tpu.memref_squeeze %dma_start3A_58 : memref<1x632x128xf32, #tpu.memory_space<hbm>> -> memref<632x128xf32, #tpu.memory_space<hbm>>
      %dma_start3A_60 = arith.constant 0 : i32
      %dma_start3A_61 = tpu.memref_slice %arg12[%mul3A_2, %dma_start3A_60] : memref<10112x128xf32, #tpu.memory_space<vmem_shared>> -> memref<632x128xf32, #tpu.memory_space<vmem_shared>>
      tpu.enqueue_dma source(%dma_start3A_61 : memref<632x128xf32, #tpu.memory_space<vmem_shared>>) target(%dma_start3A_59 : memref<632x128xf32, #tpu.memory_space<hbm>>) target_semaphore(%run_scoped3A : memref<!tpu.dma_semaphore, #tpu.memory_space<semaphore_mem>>)
      %dma_wait3A = arith.constant 0 : i32
      %dma_wait3A_62 = tpu.memref_slice %arg6[%arg0, %mul3A_2, %dma_wait3A] : memref<2x10112x128xf32, #tpu.memory_space<hbm>> -> memref<1x632x128xf32, #tpu.memory_space<hbm>>
      %dma_wait3A_63 = tpu.memref_squeeze %dma_wait3A_62 : memref<1x632x128xf32, #tpu.memory_space<hbm>> -> memref<632x128xf32, #tpu.memory_space<hbm>>
      %dma_wait3A_64 = arith.constant 0 : i32
      %dma_wait3A_65 = tpu.memref_slice %arg12[%mul3A_2, %dma_wait3A_64] : memref<10112x128xf32, #tpu.memory_space<vmem_shared>> -> memref<632x128xf32, #tpu.memory_space<vmem_shared>>
      tpu.wait_dma2 semaphore(%run_scoped3A : memref<!tpu.dma_semaphore, #tpu.memory_space<semaphore_mem>>) src(%dma_wait3A_65 : memref<632x128xf32, #tpu.memory_space<vmem_shared>>) dst(%dma_wait3A_63 : memref<632x128xf32, #tpu.memory_space<hbm>>)
      tpu.yield
    }) : () -> ()
    "tpu.region"() ({
      %run_scoped3A = tpu.sem_alloc : memref<!tpu.dma_semaphore, #tpu.memory_space<semaphore_mem>>
      %dma_start3A = tpu.memref_slice %arg13[%mul3A_2] : memref<10112xf32, #tpu.memory_space<vmem_shared>> -> memref<632xf32, #tpu.memory_space<vmem_shared>>
      %dma_start3A_58 = tpu.memref_slice %arg13[%mul3A_2] : memref<10112xf32, #tpu.memory_space<vmem_shared>> -> memref<632xf32, #tpu.memory_space<vmem_shared>>
      tpu.enqueue_dma source(%dma_start3A_58 : memref<632xf32, #tpu.memory_space<vmem_shared>>) target(%arg11 : memref<632xf32, #tpu.memory_space<vmem>>) target_semaphore(%run_scoped3A : memref<!tpu.dma_semaphore, #tpu.memory_space<semaphore_mem>>)
      %dma_wait3A = tpu.memref_slice %arg13[%mul3A_2] : memref<10112xf32, #tpu.memory_space<vmem_shared>> -> memref<632xf32, #tpu.memory_space<vmem_shared>>
      %dma_wait3A_59 = tpu.memref_slice %arg13[%mul3A_2] : memref<10112xf32, #tpu.memory_space<vmem_shared>> -> memref<632xf32, #tpu.memory_space<vmem_shared>>
      tpu.wait_dma2 semaphore(%run_scoped3A : memref<!tpu.dma_semaphore, #tpu.memory_space<semaphore_mem>>) src(%dma_wait3A_59 : memref<632xf32, #tpu.memory_space<vmem_shared>>) dst(%arg11 : memref<632xf32, #tpu.memory_space<vmem>>)
      tpu.yield
    }) : () -> ()
    %mul3A_55 = arith.constant 10112 : i32
    %mul3A_56 = arith.muli %arg0, %mul3A_55 : i32
    %add3A_57 = arith.addi %mul3A_56, %mul3A_2 : i32
    "tpu.region"() ({
      %run_scoped3A = tpu.sem_alloc : memref<!tpu.dma_semaphore, #tpu.memory_space<semaphore_mem>>
      %dma_start3A = tpu.memref_slice %arg7[%add3A_57] : memref<20224xf32, #tpu.memory_space<hbm>> -> memref<632xf32, #tpu.memory_space<hbm>>
      %dma_start3A_58 = tpu.memref_slice %arg7[%add3A_57] : memref<20224xf32, #tpu.memory_space<hbm>> -> memref<632xf32, #tpu.memory_space<hbm>>
      tpu.enqueue_dma source(%arg11 : memref<632xf32, #tpu.memory_space<vmem>>) target(%dma_start3A_58 : memref<632xf32, #tpu.memory_space<hbm>>) target_semaphore(%run_scoped3A : memref<!tpu.dma_semaphore, #tpu.memory_space<semaphore_mem>>)
      %dma_wait3A = tpu.memref_slice %arg7[%add3A_57] : memref<20224xf32, #tpu.memory_space<hbm>> -> memref<632xf32, #tpu.memory_space<hbm>>
      %dma_wait3A_59 = tpu.memref_slice %arg7[%add3A_57] : memref<20224xf32, #tpu.memory_space<hbm>> -> memref<632xf32, #tpu.memory_space<hbm>>
      tpu.wait_dma2 semaphore(%run_scoped3A : memref<!tpu.dma_semaphore, #tpu.memory_space<semaphore_mem>>) src(%arg11 : memref<632xf32, #tpu.memory_space<vmem>>) dst(%dma_wait3A_59 : memref<632xf32, #tpu.memory_space<hbm>>)
      tpu.yield
    }) : () -> ()
    return
  }
}

#map = affine_map<(d0, d1) -> (0, 0)>
#map1 = affine_map<(d0, d1) -> (0, 0, 0, 0)>
#map2 = affine_map<(d0, d1) -> (0, 0, 0)>
module attributes {stable_mosaic.version = 14 : i64} {
  func.func @_agg_kernel(%arg0: i32, %arg1: i32, %arg2: memref<10000x128xf32, #tpu.memory_space<hbm>>, %arg3: memref<32x79x2x128xi32, #tpu.memory_space<hbm>>, %arg4: memref<10112x128xf32, #tpu.memory_space<hbm>>, %arg5: memref<2x10112x128xf32, #tpu.memory_space<hbm>>, %arg6: memref<2x128xi32, #tpu.memory_space<vmem>>, %arg7: memref<128x128xf32, #tpu.memory_space<vmem>>, %arg8: memref<10112x128xf32, #tpu.memory_space<vmem_shared>>, %arg9: memref<!tpu.dma_semaphore, #tpu.memory_space<semaphore_mem>>) attributes {dimension_semantics = [#tpu.dimension_semantics<core_parallel>, #tpu.dimension_semantics<subcore_parallel>], iteration_bounds = array<i64: 2, 16>, scalar_prefetch = 0 : i64, scratch_operands = 4 : i64, tpu.core_type = #tpu.core_type<sc_vector_subcore>, window_params = [{transform_indices = #map}, {transform_indices = #map1}, {transform_indices = #map}, {transform_indices = #map2}]} {
    %mul3A = arith.constant 16 : i32
    %mul3A_0 = arith.muli %arg0, %mul3A : i32
    %add3A = arith.addi %mul3A_0, %arg1 : i32
    %mul3A_1 = arith.constant 632 : i32
    %mul3A_2 = arith.muli %arg1, %mul3A_1 : i32
    "tpu.region"() ({
      %run_scoped3A = tpu.sem_alloc : memref<!tpu.dma_semaphore, #tpu.memory_space<semaphore_mem>>
      %dma_start3A = arith.constant 0 : i32
      %dma_start3A_9 = tpu.memref_slice %arg8[%mul3A_2, %dma_start3A] : memref<10112x128xf32, #tpu.memory_space<vmem_shared>> -> memref<632x128xf32, #tpu.memory_space<vmem_shared>>
      %dma_start3A_10 = arith.constant 0 : i32
      %dma_start3A_11 = tpu.memref_slice %arg4[%mul3A_2, %dma_start3A_10] : memref<10112x128xf32, #tpu.memory_space<hbm>> -> memref<632x128xf32, #tpu.memory_space<hbm>>
      tpu.enqueue_dma source(%dma_start3A_11 : memref<632x128xf32, #tpu.memory_space<hbm>>) target(%dma_start3A_9 : memref<632x128xf32, #tpu.memory_space<vmem_shared>>) target_semaphore(%run_scoped3A : memref<!tpu.dma_semaphore, #tpu.memory_space<semaphore_mem>>)
      %dma_wait3A = arith.constant 0 : i32
      %dma_wait3A_12 = tpu.memref_slice %arg8[%mul3A_2, %dma_wait3A] : memref<10112x128xf32, #tpu.memory_space<vmem_shared>> -> memref<632x128xf32, #tpu.memory_space<vmem_shared>>
      %dma_wait3A_13 = arith.constant 0 : i32
      %dma_wait3A_14 = tpu.memref_slice %arg4[%mul3A_2, %dma_wait3A_13] : memref<10112x128xf32, #tpu.memory_space<hbm>> -> memref<632x128xf32, #tpu.memory_space<hbm>>
      tpu.wait_dma2 semaphore(%run_scoped3A : memref<!tpu.dma_semaphore, #tpu.memory_space<semaphore_mem>>) src(%dma_wait3A_14 : memref<632x128xf32, #tpu.memory_space<hbm>>) dst(%dma_wait3A_12 : memref<632x128xf32, #tpu.memory_space<vmem_shared>>)
      tpu.yield
    }) : () -> ()
    %barrier3A = arith.constant 0 : index
    tpu.barrier barrier_id(%barrier3A)
    %scan3A = arith.constant 0 : i32
    %scan3A_3 = arith.constant 0 : i32
    %scan3A_4 = arith.constant 79 : i32
    %scan3A_5 = arith.addi %scan3A_3, %scan3A_4 : i32
    %scan3A_6 = arith.constant 1 : i32
    scf.for %scan3A_9 = %scan3A_3 to %scan3A_5 step %scan3A_6  : i32 {
      "tpu.region"() ({
        %run_scoped3A_22 = tpu.sem_alloc : memref<!tpu.dma_semaphore, #tpu.memory_space<semaphore_mem>>
        %dma_start3A_23 = arith.constant 0 : i32
        %dma_start3A_24 = arith.constant 0 : i32
        %dma_start3A_25 = tpu.memref_slice %arg3[%add3A, %scan3A_9, %dma_start3A_23, %dma_start3A_24] : memref<32x79x2x128xi32, #tpu.memory_space<hbm>> -> memref<1x1x2x128xi32, #tpu.memory_space<hbm>>
        %dma_start3A_26 = tpu.memref_squeeze %dma_start3A_25 : memref<1x1x2x128xi32, #tpu.memory_space<hbm>> -> memref<2x128xi32, #tpu.memory_space<hbm>>
        %dma_start3A_27 = arith.constant 0 : i32
        %dma_start3A_28 = arith.constant 0 : i32
        %dma_start3A_29 = tpu.memref_slice %arg3[%add3A, %scan3A_9, %dma_start3A_27, %dma_start3A_28] : memref<32x79x2x128xi32, #tpu.memory_space<hbm>> -> memref<1x1x2x128xi32, #tpu.memory_space<hbm>>
        %dma_start3A_30 = tpu.memref_squeeze %dma_start3A_29 : memref<1x1x2x128xi32, #tpu.memory_space<hbm>> -> memref<2x128xi32, #tpu.memory_space<hbm>>
        tpu.enqueue_dma source(%dma_start3A_30 : memref<2x128xi32, #tpu.memory_space<hbm>>) target(%arg6 : memref<2x128xi32, #tpu.memory_space<vmem>>) target_semaphore(%run_scoped3A_22 : memref<!tpu.dma_semaphore, #tpu.memory_space<semaphore_mem>>)
        %dma_wait3A_31 = arith.constant 0 : i32
        %dma_wait3A_32 = arith.constant 0 : i32
        %dma_wait3A_33 = tpu.memref_slice %arg3[%add3A, %scan3A_9, %dma_wait3A_31, %dma_wait3A_32] : memref<32x79x2x128xi32, #tpu.memory_space<hbm>> -> memref<1x1x2x128xi32, #tpu.memory_space<hbm>>
        %dma_wait3A_34 = tpu.memref_squeeze %dma_wait3A_33 : memref<1x1x2x128xi32, #tpu.memory_space<hbm>> -> memref<2x128xi32, #tpu.memory_space<hbm>>
        %dma_wait3A_35 = arith.constant 0 : i32
        %dma_wait3A_36 = arith.constant 0 : i32
        %dma_wait3A_37 = tpu.memref_slice %arg3[%add3A, %scan3A_9, %dma_wait3A_35, %dma_wait3A_36] : memref<32x79x2x128xi32, #tpu.memory_space<hbm>> -> memref<1x1x2x128xi32, #tpu.memory_space<hbm>>
        %dma_wait3A_38 = tpu.memref_squeeze %dma_wait3A_37 : memref<1x1x2x128xi32, #tpu.memory_space<hbm>> -> memref<2x128xi32, #tpu.memory_space<hbm>>
        tpu.wait_dma2 semaphore(%run_scoped3A_22 : memref<!tpu.dma_semaphore, #tpu.memory_space<semaphore_mem>>) src(%dma_wait3A_38 : memref<2x128xi32, #tpu.memory_space<hbm>>) dst(%arg6 : memref<2x128xi32, #tpu.memory_space<vmem>>)
        tpu.yield
      }) : () -> ()
      %dma_start3A = arith.constant 0 : i32
      %dma_start3A_10 = arith.constant 0 : i32
      %dma_start3A_11 = tpu.memref_slice %arg6[%dma_start3A, %dma_start3A_10] : memref<2x128xi32, #tpu.memory_space<vmem>> -> memref<1x128xi32, #tpu.memory_space<vmem>>
      %dma_start3A_12 = tpu.memref_squeeze %dma_start3A_11 : memref<1x128xi32, #tpu.memory_space<vmem>> -> memref<128xi32, #tpu.memory_space<vmem>>
      %dma_start3A_13 = arith.constant 0 : i32
      %dma_start3A_14 = arith.constant 0 : i32
      %dma_start3A_15 = tpu.memref_slice %arg2[%dma_start3A_13, %dma_start3A_14] : memref<10000x128xf32, #tpu.memory_space<hbm>> -> memref<10000x128xf32, #tpu.memory_space<hbm>>
      tpu.enqueue_indirect_dma source(%dma_start3A_15 : memref<10000x128xf32, #tpu.memory_space<hbm>>) target(%arg7 : memref<128x128xf32, #tpu.memory_space<vmem>>) offsets(%dma_start3A_12 : memref<128xi32, #tpu.memory_space<vmem>>) semaphore(%arg9 : memref<!tpu.dma_semaphore, #tpu.memory_space<semaphore_mem>>)
      %dma_wait3A = arith.constant 0 : i32
      %dma_wait3A_16 = arith.constant 0 : i32
      %dma_wait3A_17 = tpu.memref_slice %arg6[%dma_wait3A, %dma_wait3A_16] : memref<2x128xi32, #tpu.memory_space<vmem>> -> memref<1x128xi32, #tpu.memory_space<vmem>>
      %dma_wait3A_18 = tpu.memref_squeeze %dma_wait3A_17 : memref<1x128xi32, #tpu.memory_space<vmem>> -> memref<128xi32, #tpu.memory_space<vmem>>
      %dma_wait3A_19 = arith.constant 0 : i32
      %dma_wait3A_20 = arith.constant 0 : i32
      %dma_wait3A_21 = tpu.memref_slice %arg2[%dma_wait3A_19, %dma_wait3A_20] : memref<10000x128xf32, #tpu.memory_space<hbm>> -> memref<10000x128xf32, #tpu.memory_space<hbm>>
      tpu.wait_indirect_dma semaphore(%arg9 : memref<!tpu.dma_semaphore, #tpu.memory_space<semaphore_mem>>) src(%dma_wait3A_21 : memref<10000x128xf32, #tpu.memory_space<hbm>>) dst(%arg7 : memref<128x128xf32, #tpu.memory_space<vmem>>)
      %run_scoped3A = arith.constant 1 : i32
      "tpu.region"() ({
        %run_scoped3A_22 = tpu.sem_alloc : memref<!tpu.dma_semaphore, #tpu.memory_space<semaphore_mem>>
        %dma_start3A_23 = arith.constant 0 : i32
        %dma_start3A_24 = tpu.memref_slice %arg6[%run_scoped3A, %dma_start3A_23] : memref<2x128xi32, #tpu.memory_space<vmem>> -> memref<1x128xi32, #tpu.memory_space<vmem>>
        %dma_start3A_25 = tpu.memref_squeeze %dma_start3A_24 : memref<1x128xi32, #tpu.memory_space<vmem>> -> memref<128xi32, #tpu.memory_space<vmem>>
        %dma_start3A_26 = arith.constant 0 : i32
        %dma_start3A_27 = arith.constant 0 : i32
        %dma_start3A_28 = tpu.memref_slice %arg8[%dma_start3A_26, %dma_start3A_27] : memref<10112x128xf32, #tpu.memory_space<vmem_shared>> -> memref<10112x128xf32, #tpu.memory_space<vmem_shared>>
        tpu.enqueue_indirect_dma source(%arg7 : memref<128x128xf32, #tpu.memory_space<vmem>>) target(%dma_start3A_28 : memref<10112x128xf32, #tpu.memory_space<vmem_shared>>) offsets(%dma_start3A_25 : memref<128xi32, #tpu.memory_space<vmem>>) semaphore(%run_scoped3A_22 : memref<!tpu.dma_semaphore, #tpu.memory_space<semaphore_mem>>) {add = true}
        %dma_wait3A_29 = arith.constant 0 : i32
        %dma_wait3A_30 = tpu.memref_slice %arg6[%run_scoped3A, %dma_wait3A_29] : memref<2x128xi32, #tpu.memory_space<vmem>> -> memref<1x128xi32, #tpu.memory_space<vmem>>
        %dma_wait3A_31 = tpu.memref_squeeze %dma_wait3A_30 : memref<1x128xi32, #tpu.memory_space<vmem>> -> memref<128xi32, #tpu.memory_space<vmem>>
        %dma_wait3A_32 = arith.constant 0 : i32
        %dma_wait3A_33 = arith.constant 0 : i32
        %dma_wait3A_34 = tpu.memref_slice %arg8[%dma_wait3A_32, %dma_wait3A_33] : memref<10112x128xf32, #tpu.memory_space<vmem_shared>> -> memref<10112x128xf32, #tpu.memory_space<vmem_shared>>
        tpu.wait_indirect_dma semaphore(%run_scoped3A_22 : memref<!tpu.dma_semaphore, #tpu.memory_space<semaphore_mem>>) src(%arg7 : memref<128x128xf32, #tpu.memory_space<vmem>>) dst(%dma_wait3A_34 : memref<10112x128xf32, #tpu.memory_space<vmem_shared>>)
        tpu.yield
      }) : () -> ()
    }
    %scan3A_7 = arith.constant 79 : i32
    %barrier3A_8 = arith.constant 0 : index
    tpu.barrier barrier_id(%barrier3A_8)
    "tpu.region"() ({
      %run_scoped3A = tpu.sem_alloc : memref<!tpu.dma_semaphore, #tpu.memory_space<semaphore_mem>>
      %dma_start3A = arith.constant 0 : i32
      %dma_start3A_9 = tpu.memref_slice %arg5[%arg0, %mul3A_2, %dma_start3A] : memref<2x10112x128xf32, #tpu.memory_space<hbm>> -> memref<1x632x128xf32, #tpu.memory_space<hbm>>
      %dma_start3A_10 = tpu.memref_squeeze %dma_start3A_9 : memref<1x632x128xf32, #tpu.memory_space<hbm>> -> memref<632x128xf32, #tpu.memory_space<hbm>>
      %dma_start3A_11 = arith.constant 0 : i32
      %dma_start3A_12 = tpu.memref_slice %arg8[%mul3A_2, %dma_start3A_11] : memref<10112x128xf32, #tpu.memory_space<vmem_shared>> -> memref<632x128xf32, #tpu.memory_space<vmem_shared>>
      tpu.enqueue_dma source(%dma_start3A_12 : memref<632x128xf32, #tpu.memory_space<vmem_shared>>) target(%dma_start3A_10 : memref<632x128xf32, #tpu.memory_space<hbm>>) target_semaphore(%run_scoped3A : memref<!tpu.dma_semaphore, #tpu.memory_space<semaphore_mem>>)
      %dma_wait3A = arith.constant 0 : i32
      %dma_wait3A_13 = tpu.memref_slice %arg5[%arg0, %mul3A_2, %dma_wait3A] : memref<2x10112x128xf32, #tpu.memory_space<hbm>> -> memref<1x632x128xf32, #tpu.memory_space<hbm>>
      %dma_wait3A_14 = tpu.memref_squeeze %dma_wait3A_13 : memref<1x632x128xf32, #tpu.memory_space<hbm>> -> memref<632x128xf32, #tpu.memory_space<hbm>>
      %dma_wait3A_15 = arith.constant 0 : i32
      %dma_wait3A_16 = tpu.memref_slice %arg8[%mul3A_2, %dma_wait3A_15] : memref<10112x128xf32, #tpu.memory_space<vmem_shared>> -> memref<632x128xf32, #tpu.memory_space<vmem_shared>>
      tpu.wait_dma2 semaphore(%run_scoped3A : memref<!tpu.dma_semaphore, #tpu.memory_space<semaphore_mem>>) src(%dma_wait3A_16 : memref<632x128xf32, #tpu.memory_space<vmem_shared>>) dst(%dma_wait3A_14 : memref<632x128xf32, #tpu.memory_space<hbm>>)
      tpu.yield
    }) : () -> ()
    return
  }
}

module attributes {stable_mosaic.version = 14 : i64} {
  func.func @_proj_body(%arg0: i32, %arg1: memref<400x128xf32, #tpu.memory_space<vmem>>, %arg2: memref<128x128xf32, #tpu.memory_space<vmem>>, %arg3: memref<1x128xf32, #tpu.memory_space<vmem>>, %arg4: memref<400x128xf32, #tpu.memory_space<vmem>>, %arg5: memref<400x128xf32, #tpu.memory_space<vmem>>) attributes {dimension_semantics = [#tpu.dimension_semantics<arbitrary>], iteration_bounds = array<i64: 25>, scalar_prefetch = 0 : i64, scratch_operands = 0 : i64, tpu.core_type = #tpu.core_type<tc>, window_params = [{transform_indices = @transform_0, window_bounds = array<i64: 400, 128>}, {pipeline_mode = #tpu.pipeline_mode<synchronous>, transform_indices = @transform_1, window_bounds = array<i64: 128, 128>}, {pipeline_mode = #tpu.pipeline_mode<synchronous>, transform_indices = @transform_2, window_bounds = array<i64: 1, 128>}, {transform_indices = @transform_3, window_bounds = array<i64: 400, 128>}, {transform_indices = @transform_4, window_bounds = array<i64: 400, 128>}]} {
    %get3A = arith.constant 0 : index
    %get3A_0 = arith.constant 0 : index
    %get3A_1 = vector.load %arg1[%get3A, %get3A_0] : memref<400x128xf32, #tpu.memory_space<vmem>>, vector<400x128xf32>
    %get3A_2 = arith.constant 0 : index
    %get3A_3 = arith.constant 0 : index
    %get3A_4 = vector.load %arg2[%get3A_2, %get3A_3] : memref<128x128xf32, #tpu.memory_space<vmem>>, vector<128x128xf32>
    %dot_general3A = arith.constant dense<0.000000e+00> : vector<400x128xf32>
    %dot_general3A_5 = tpu.matmul %get3A_1, %get3A_4, %dot_general3A {dimension_numbers = #tpu.dot_dimension_numbers<[1], [1], [0], [0], [0, 0, 1, 0], [], []>, transpose_lhs_hint = false} : vector<400x128xf32>, vector<128x128xf32>, vector<400x128xf32> -> vector<400x128xf32>
    %get3A_6 = arith.constant 0 : index
    %get3A_7 = arith.constant 0 : index
    %get3A_8 = vector.load %arg3[%get3A_6, %get3A_7] : memref<1x128xf32, #tpu.memory_space<vmem>>, vector<1x128xf32>
    %add3A = vector.broadcast %get3A_8 : vector<1x128xf32> to vector<400x128xf32>
    %add3A_9 = arith.addf %dot_general3A_5, %add3A : vector<400x128xf32>
    %swap3A = arith.constant 0 : index
    %swap3A_10 = arith.constant 0 : index
    %swap3A_11 = vector.load %arg4[%swap3A, %swap3A_10] : memref<400x128xf32, #tpu.memory_space<vmem>>, vector<400x128xf32>
    tpu.vector_store %arg4[%swap3A, %swap3A_10], %add3A_9 {strides = array<i32>} : memref<400x128xf32, #tpu.memory_space<vmem>>, vector<400x128xf32>,
    %max3A = arith.constant 0.000000e+00 : f32
    %max3A_12 = vector.broadcast %max3A : f32 to vector<400x128xf32>
    %max3A_13 = arith.maximumf %add3A_9, %max3A_12 : vector<400x128xf32>
    %swap3A_14 = arith.constant 0 : index
    %swap3A_15 = arith.constant 0 : index
    %swap3A_16 = vector.load %arg5[%swap3A_14, %swap3A_15] : memref<400x128xf32, #tpu.memory_space<vmem>>, vector<400x128xf32>
    tpu.vector_store %arg5[%swap3A_14, %swap3A_15], %max3A_13 {strides = array<i32>} : memref<400x128xf32, #tpu.memory_space<vmem>>, vector<400x128xf32>,
    return
  }
  func.func @transform_0(%arg0: i32) -> (i32, i32) {
    %c0_i32 = arith.constant 0 : i32
    %c0_i32_0 = arith.constant 0 : i32
    return %arg0, %c0_i32 : i32, i32
  }
  func.func @transform_1(%arg0: i32) -> (i32, i32) {
    %c0_i32 = arith.constant 0 : i32
    %c0_i32_0 = arith.constant 0 : i32
    %c0_i32_1 = arith.constant 0 : i32
    return %c0_i32, %c0_i32_0 : i32, i32
  }
  func.func @transform_2(%arg0: i32) -> (i32, i32) {
    %c0_i32 = arith.constant 0 : i32
    %c0_i32_0 = arith.constant 0 : i32
    %c0_i32_1 = arith.constant 0 : i32
    return %c0_i32, %c0_i32_0 : i32, i32
  }
  func.func @transform_3(%arg0: i32) -> (i32, i32) {
    %c0_i32 = arith.constant 0 : i32
    %c0_i32_0 = arith.constant 0 : i32
    return %arg0, %c0_i32 : i32, i32
  }
  func.func @transform_4(%arg0: i32) -> (i32, i32) {
    %c0_i32 = arith.constant 0 : i32
    %c0_i32_0 = arith.constant 0 : i32
    return %arg0, %c0_i32 : i32, i32
  }
}

module attributes {stable_mosaic.version = 14 : i64} {
  func.func @_mix0_body(%arg0: i32, %arg1: memref<2x400x128xf32, #tpu.memory_space<vmem>>, %arg2: memref<2x400x1xf32, #tpu.memory_space<vmem>>, %arg3: memref<400x128xf32, #tpu.memory_space<vmem>>, %arg4: memref<128x128xf32, #tpu.memory_space<vmem>>, %arg5: memref<1x128xf32, #tpu.memory_space<vmem>>, %arg6: memref<128x128xf32, #tpu.memory_space<vmem>>, %arg7: memref<400x128xf32, #tpu.memory_space<vmem>>) attributes {dimension_semantics = [#tpu.dimension_semantics<arbitrary>], iteration_bounds = array<i64: 25>, scalar_prefetch = 0 : i64, scratch_operands = 0 : i64, tpu.core_type = #tpu.core_type<tc>, window_params = [{transform_indices = @transform_0, window_bounds = array<i64: 2, 400, 128>}, {transform_indices = @transform_1, window_bounds = array<i64: 2, 400, 1>}, {transform_indices = @transform_2, window_bounds = array<i64: 400, 128>}, {pipeline_mode = #tpu.pipeline_mode<synchronous>, transform_indices = @transform_3, window_bounds = array<i64: 128, 128>}, {pipeline_mode = #tpu.pipeline_mode<synchronous>, transform_indices = @transform_4, window_bounds = array<i64: 1, 128>}, {pipeline_mode = #tpu.pipeline_mode<synchronous>, transform_indices = @transform_5, window_bounds = array<i64: 128, 128>}, {transform_indices = @transform_6, window_bounds = array<i64: 400, 128>}]} {
    %get3A = arith.constant 0 : index
    %get3A_0 = arith.constant 0 : index
    %get3A_1 = arith.constant 0 : index
    %get3A_2 = vector.load %arg2[%get3A, %get3A_0, %get3A_1] : memref<2x400x1xf32, #tpu.memory_space<vmem>>, vector<1x400x1xf32>
    %get3A_3 = vector.shape_cast %get3A_2 : vector<1x400x1xf32> to vector<400x1xf32>
    %get3A_4 = arith.constant 1 : index
    %get3A_5 = arith.constant 0 : index
    %get3A_6 = arith.constant 0 : index
    %get3A_7 = vector.load %arg2[%get3A_4, %get3A_5, %get3A_6] : memref<2x400x1xf32, #tpu.memory_space<vmem>>, vector<1x400x1xf32>
    %get3A_8 = vector.shape_cast %get3A_7 : vector<1x400x1xf32> to vector<400x1xf32>
    %add3A = arith.addf %get3A_3, %get3A_8 : vector<400x1xf32>
    %max3A = arith.constant 1.000000e+00 : f32
    %max3A_9 = vector.broadcast %max3A : f32 to vector<400x1xf32>
    %max3A_10 = arith.maximumf %add3A, %max3A_9 : vector<400x1xf32>
    %div3A = arith.constant 1.000000e+00 : f32
    %div3A_11 = vector.broadcast %div3A : f32 to vector<400x1xf32>
    %div3A_12 = arith.divf %div3A_11, %max3A_10 : vector<400x1xf32>
    %get3A_13 = arith.constant 0 : index
    %get3A_14 = arith.constant 0 : index
    %get3A_15 = arith.constant 0 : index
    %get3A_16 = vector.load %arg1[%get3A_13, %get3A_14, %get3A_15] : memref<2x400x128xf32, #tpu.memory_space<vmem>>, vector<1x400x128xf32>
    %get3A_17 = vector.shape_cast %get3A_16 : vector<1x400x128xf32> to vector<400x128xf32>
    %get3A_18 = arith.constant 1 : index
    %get3A_19 = arith.constant 0 : index
    %get3A_20 = arith.constant 0 : index
    %get3A_21 = vector.load %arg1[%get3A_18, %get3A_19, %get3A_20] : memref<2x400x128xf32, #tpu.memory_space<vmem>>, vector<1x400x128xf32>
    %get3A_22 = vector.shape_cast %get3A_21 : vector<1x400x128xf32> to vector<400x128xf32>
    %add3A_23 = arith.addf %get3A_17, %get3A_22 : vector<400x128xf32>
    %mul3A = vector.broadcast %div3A_12 : vector<400x1xf32> to vector<400x128xf32>
    %mul3A_24 = arith.mulf %add3A_23, %mul3A : vector<400x128xf32>
    %get3A_25 = arith.constant 0 : index
    %get3A_26 = arith.constant 0 : index
    %get3A_27 = vector.load %arg4[%get3A_25, %get3A_26] : memref<128x128xf32, #tpu.memory_space<vmem>>, vector<128x128xf32>
    %dot_general3A = arith.constant dense<0.000000e+00> : vector<400x128xf32>
    %dot_general3A_28 = tpu.matmul %mul3A_24, %get3A_27, %dot_general3A {dimension_numbers = #tpu.dot_dimension_numbers<[1], [1], [0], [0], [0, 0, 1, 0], [], []>, transpose_lhs_hint = false} : vector<400x128xf32>, vector<128x128xf32>, vector<400x128xf32> -> vector<400x128xf32>
    %get3A_29 = arith.constant 0 : index
    %get3A_30 = arith.constant 0 : index
    %get3A_31 = vector.load %arg5[%get3A_29, %get3A_30] : memref<1x128xf32, #tpu.memory_space<vmem>>, vector<1x128xf32>
    %add3A_32 = vector.broadcast %get3A_31 : vector<1x128xf32> to vector<400x128xf32>
    %add3A_33 = arith.addf %dot_general3A_28, %add3A_32 : vector<400x128xf32>
    %get3A_34 = arith.constant 0 : index
    %get3A_35 = arith.constant 0 : index
    %get3A_36 = vector.load %arg3[%get3A_34, %get3A_35] : memref<400x128xf32, #tpu.memory_space<vmem>>, vector<400x128xf32>
    %get3A_37 = arith.constant 0 : index
    %get3A_38 = arith.constant 0 : index
    %get3A_39 = vector.load %arg6[%get3A_37, %get3A_38] : memref<128x128xf32, #tpu.memory_space<vmem>>, vector<128x128xf32>
    %dot_general3A_40 = arith.constant dense<0.000000e+00> : vector<400x128xf32>
    %dot_general3A_41 = tpu.matmul %get3A_36, %get3A_39, %dot_general3A_40 {dimension_numbers = #tpu.dot_dimension_numbers<[1], [1], [0], [0], [0, 0, 1, 0], [], []>, transpose_lhs_hint = false} : vector<400x128xf32>, vector<128x128xf32>, vector<400x128xf32> -> vector<400x128xf32>
    %add3A_42 = arith.addf %add3A_33, %dot_general3A_41 : vector<400x128xf32>
    %max3A_43 = arith.constant 0.000000e+00 : f32
    %max3A_44 = vector.broadcast %max3A_43 : f32 to vector<400x128xf32>
    %max3A_45 = arith.maximumf %add3A_42, %max3A_44 : vector<400x128xf32>
    %swap3A = arith.constant 0 : index
    %swap3A_46 = arith.constant 0 : index
    %swap3A_47 = vector.load %arg7[%swap3A, %swap3A_46] : memref<400x128xf32, #tpu.memory_space<vmem>>, vector<400x128xf32>
    tpu.vector_store %arg7[%swap3A, %swap3A_46], %max3A_45 {strides = array<i32>} : memref<400x128xf32, #tpu.memory_space<vmem>>, vector<400x128xf32>,
    return
  }
  func.func @transform_0(%arg0: i32) -> (i32, i32, i32) {
    %c0_i32 = arith.constant 0 : i32
    %c0_i32_0 = arith.constant 0 : i32
    %c0_i32_1 = arith.constant 0 : i32
    return %c0_i32, %arg0, %c0_i32_0 : i32, i32, i32
  }
  func.func @transform_1(%arg0: i32) -> (i32, i32, i32) {
    %c0_i32 = arith.constant 0 : i32
    %c0_i32_0 = arith.constant 0 : i32
    %c0_i32_1 = arith.constant 0 : i32
    return %c0_i32, %arg0, %c0_i32_0 : i32, i32, i32
  }
  func.func @transform_2(%arg0: i32) -> (i32, i32) {
    %c0_i32 = arith.constant 0 : i32
    %c0_i32_0 = arith.constant 0 : i32
    return %arg0, %c0_i32 : i32, i32
  }
  func.func @transform_3(%arg0: i32) -> (i32, i32) {
    %c0_i32 = arith.constant 0 : i32
    %c0_i32_0 = arith.constant 0 : i32
    %c0_i32_1 = arith.constant 0 : i32
    return %c0_i32, %c0_i32_0 : i32, i32
  }
  func.func @transform_4(%arg0: i32) -> (i32, i32) {
    %c0_i32 = arith.constant 0 : i32
    %c0_i32_0 = arith.constant 0 : i32
    %c0_i32_1 = arith.constant 0 : i32
    return %c0_i32, %c0_i32_0 : i32, i32
  }
  func.func @transform_5(%arg0: i32) -> (i32, i32) {
    %c0_i32 = arith.constant 0 : i32
    %c0_i32_0 = arith.constant 0 : i32
    %c0_i32_1 = arith.constant 0 : i32
    return %c0_i32, %c0_i32_0 : i32, i32
  }
  func.func @transform_6(%arg0: i32) -> (i32, i32) {
    %c0_i32 = arith.constant 0 : i32
    %c0_i32_0 = arith.constant 0 : i32
    return %arg0, %c0_i32 : i32, i32
  }
}

module attributes {stable_mosaic.version = 14 : i64} {
  func.func @_mix1_body(%arg0: i32, %arg1: memref<2x400x128xf32, #tpu.memory_space<vmem>>, %arg2: memref<2x400x1xf32, #tpu.memory_space<vmem>>, %arg3: memref<400x128xf32, #tpu.memory_space<vmem>>, %arg4: memref<128x128xf32, #tpu.memory_space<vmem>>, %arg5: memref<1x128xf32, #tpu.memory_space<vmem>>, %arg6: memref<128x128xf32, #tpu.memory_space<vmem>>, %arg7: memref<400x128xf32, #tpu.memory_space<vmem>>, %arg8: memref<400x128xf32, #tpu.memory_space<vmem>>) attributes {dimension_semantics = [#tpu.dimension_semantics<arbitrary>], iteration_bounds = array<i64: 25>, scalar_prefetch = 0 : i64, scratch_operands = 0 : i64, tpu.core_type = #tpu.core_type<tc>, window_params = [{transform_indices = @transform_0, window_bounds = array<i64: 2, 400, 128>}, {transform_indices = @transform_1, window_bounds = array<i64: 2, 400, 1>}, {transform_indices = @transform_2, window_bounds = array<i64: 400, 128>}, {pipeline_mode = #tpu.pipeline_mode<synchronous>, transform_indices = @transform_3, window_bounds = array<i64: 128, 128>}, {pipeline_mode = #tpu.pipeline_mode<synchronous>, transform_indices = @transform_4, window_bounds = array<i64: 1, 128>}, {pipeline_mode = #tpu.pipeline_mode<synchronous>, transform_indices = @transform_5, window_bounds = array<i64: 128, 128>}, {transform_indices = @transform_6, window_bounds = array<i64: 400, 128>}, {transform_indices = @transform_7, window_bounds = array<i64: 400, 128>}]} {
    %get3A = arith.constant 0 : index
    %get3A_0 = arith.constant 0 : index
    %get3A_1 = arith.constant 0 : index
    %get3A_2 = vector.load %arg2[%get3A, %get3A_0, %get3A_1] : memref<2x400x1xf32, #tpu.memory_space<vmem>>, vector<1x400x1xf32>
    %get3A_3 = vector.shape_cast %get3A_2 : vector<1x400x1xf32> to vector<400x1xf32>
    %get3A_4 = arith.constant 1 : index
    %get3A_5 = arith.constant 0 : index
    %get3A_6 = arith.constant 0 : index
    %get3A_7 = vector.load %arg2[%get3A_4, %get3A_5, %get3A_6] : memref<2x400x1xf32, #tpu.memory_space<vmem>>, vector<1x400x1xf32>
    %get3A_8 = vector.shape_cast %get3A_7 : vector<1x400x1xf32> to vector<400x1xf32>
    %add3A = arith.addf %get3A_3, %get3A_8 : vector<400x1xf32>
    %max3A = arith.constant 1.000000e+00 : f32
    %max3A_9 = vector.broadcast %max3A : f32 to vector<400x1xf32>
    %max3A_10 = arith.maximumf %add3A, %max3A_9 : vector<400x1xf32>
    %div3A = arith.constant 1.000000e+00 : f32
    %div3A_11 = vector.broadcast %div3A : f32 to vector<400x1xf32>
    %div3A_12 = arith.divf %div3A_11, %max3A_10 : vector<400x1xf32>
    %get3A_13 = arith.constant 0 : index
    %get3A_14 = arith.constant 0 : index
    %get3A_15 = arith.constant 0 : index
    %get3A_16 = vector.load %arg1[%get3A_13, %get3A_14, %get3A_15] : memref<2x400x128xf32, #tpu.memory_space<vmem>>, vector<1x400x128xf32>
    %get3A_17 = vector.shape_cast %get3A_16 : vector<1x400x128xf32> to vector<400x128xf32>
    %get3A_18 = arith.constant 1 : index
    %get3A_19 = arith.constant 0 : index
    %get3A_20 = arith.constant 0 : index
    %get3A_21 = vector.load %arg1[%get3A_18, %get3A_19, %get3A_20] : memref<2x400x128xf32, #tpu.memory_space<vmem>>, vector<1x400x128xf32>
    %get3A_22 = vector.shape_cast %get3A_21 : vector<1x400x128xf32> to vector<400x128xf32>
    %add3A_23 = arith.addf %get3A_17, %get3A_22 : vector<400x128xf32>
    %mul3A = vector.broadcast %div3A_12 : vector<400x1xf32> to vector<400x128xf32>
    %mul3A_24 = arith.mulf %add3A_23, %mul3A : vector<400x128xf32>
    %get3A_25 = arith.constant 0 : index
    %get3A_26 = arith.constant 0 : index
    %get3A_27 = vector.load %arg4[%get3A_25, %get3A_26] : memref<128x128xf32, #tpu.memory_space<vmem>>, vector<128x128xf32>
    %dot_general3A = arith.constant dense<0.000000e+00> : vector<400x128xf32>
    %dot_general3A_28 = tpu.matmul %mul3A_24, %get3A_27, %dot_general3A {dimension_numbers = #tpu.dot_dimension_numbers<[1], [1], [0], [0], [0, 0, 1, 0], [], []>, transpose_lhs_hint = false} : vector<400x128xf32>, vector<128x128xf32>, vector<400x128xf32> -> vector<400x128xf32>
    %get3A_29 = arith.constant 0 : index
    %get3A_30 = arith.constant 0 : index
    %get3A_31 = vector.load %arg5[%get3A_29, %get3A_30] : memref<1x128xf32, #tpu.memory_space<vmem>>, vector<1x128xf32>
    %add3A_32 = vector.broadcast %get3A_31 : vector<1x128xf32> to vector<400x128xf32>
    %add3A_33 = arith.addf %dot_general3A_28, %add3A_32 : vector<400x128xf32>
    %get3A_34 = arith.constant 0 : index
    %get3A_35 = arith.constant 0 : index
    %get3A_36 = vector.load %arg3[%get3A_34, %get3A_35] : memref<400x128xf32, #tpu.memory_space<vmem>>, vector<400x128xf32>
    %get3A_37 = arith.constant 0 : index
    %get3A_38 = arith.constant 0 : index
    %get3A_39 = vector.load %arg6[%get3A_37, %get3A_38] : memref<128x128xf32, #tpu.memory_space<vmem>>, vector<128x128xf32>
    %dot_general3A_40 = arith.constant dense<0.000000e+00> : vector<400x128xf32>
    %dot_general3A_41 = tpu.matmul %get3A_36, %get3A_39, %dot_general3A_40 {dimension_numbers = #tpu.dot_dimension_numbers<[1], [1], [0], [0], [0, 0, 1, 0], [], []>, transpose_lhs_hint = false} : vector<400x128xf32>, vector<128x128xf32>, vector<400x128xf32> -> vector<400x128xf32>
    %add3A_42 = arith.addf %add3A_33, %dot_general3A_41 : vector<400x128xf32>
    %max3A_43 = arith.constant 0.000000e+00 : f32
    %max3A_44 = vector.broadcast %max3A_43 : f32 to vector<400x128xf32>
    %max3A_45 = arith.maximumf %add3A_42, %max3A_44 : vector<400x128xf32>
    %get3A_46 = arith.constant 0 : index
    %get3A_47 = arith.constant 0 : index
    %get3A_48 = vector.load %arg7[%get3A_46, %get3A_47] : memref<400x128xf32, #tpu.memory_space<vmem>>, vector<400x128xf32>
    %add3A_49 = arith.addf %max3A_45, %get3A_48 : vector<400x128xf32>
    %max3A_50 = arith.constant 0.000000e+00 : f32
    %max3A_51 = vector.broadcast %max3A_50 : f32 to vector<400x128xf32>
    %max3A_52 = arith.maximumf %add3A_49, %max3A_51 : vector<400x128xf32>
    %swap3A = arith.constant 0 : index
    %swap3A_53 = arith.constant 0 : index
    %swap3A_54 = vector.load %arg8[%swap3A, %swap3A_53] : memref<400x128xf32, #tpu.memory_space<vmem>>, vector<400x128xf32>
    tpu.vector_store %arg8[%swap3A, %swap3A_53], %max3A_52 {strides = array<i32>} : memref<400x128xf32, #tpu.memory_space<vmem>>, vector<400x128xf32>,
    return
  }
  func.func @transform_0(%arg0: i32) -> (i32, i32, i32) {
    %c0_i32 = arith.constant 0 : i32
    %c0_i32_0 = arith.constant 0 : i32
    %c0_i32_1 = arith.constant 0 : i32
    return %c0_i32, %arg0, %c0_i32_0 : i32, i32, i32
  }
  func.func @transform_1(%arg0: i32) -> (i32, i32, i32) {
    %c0_i32 = arith.constant 0 : i32
    %c0_i32_0 = arith.constant 0 : i32
    %c0_i32_1 = arith.constant 0 : i32
    return %c0_i32, %arg0, %c0_i32_0 : i32, i32, i32
  }
  func.func @transform_2(%arg0: i32) -> (i32, i32) {
    %c0_i32 = arith.constant 0 : i32
    %c0_i32_0 = arith.constant 0 : i32
    return %arg0, %c0_i32 : i32, i32
  }
  func.func @transform_3(%arg0: i32) -> (i32, i32) {
    %c0_i32 = arith.constant 0 : i32
    %c0_i32_0 = arith.constant 0 : i32
    %c0_i32_1 = arith.constant 0 : i32
    return %c0_i32, %c0_i32_0 : i32, i32
  }
  func.func @transform_4(%arg0: i32) -> (i32, i32) {
    %c0_i32 = arith.constant 0 : i32
    %c0_i32_0 = arith.constant 0 : i32
    %c0_i32_1 = arith.constant 0 : i32
    return %c0_i32, %c0_i32_0 : i32, i32
  }
  func.func @transform_5(%arg0: i32) -> (i32, i32) {
    %c0_i32 = arith.constant 0 : i32
    %c0_i32_0 = arith.constant 0 : i32
    %c0_i32_1 = arith.constant 0 : i32
    return %c0_i32, %c0_i32_0 : i32, i32
  }
  func.func @transform_6(%arg0: i32) -> (i32, i32) {
    %c0_i32 = arith.constant 0 : i32
    %c0_i32_0 = arith.constant 0 : i32
    return %arg0, %c0_i32 : i32, i32
  }
  func.func @transform_7(%arg0: i32) -> (i32, i32) {
    %c0_i32 = arith.constant 0 : i32
    %c0_i32_0 = arith.constant 0 : i32
    return %arg0, %c0_i32 : i32, i32
  }
}

</mosaic_0001>

<sc_bundles>
// kernel: kernel.10.cloned.1.call-start
scs
__scs_entry_jumppad:
0x0: {  	(pc) =	sbr.rel $0x88, $3  }
0x1: {  	(tag) =	ssettag $0x0;
	lr =	simm.s32 $0x1  }
0x2: {  	[smem:$0x3F97] =	sst lr;
	_ =	strace $0xD0000000  }
0x3: {  	_ = 	snop  }
0x4: {  	_ = 	snop  }
0x5: {  	_ = 	snop  }
0x6: {  	_ = 	snop  }
0x7: {  	_ = 	snop  }
__scs_overlays_trampoline_lowered:
0x8: {  	[smem:$0x3FA6] =	sst s0  }
0x9: {  	[smem:$0x3FA7] =	sst s1  }
0xa: {  	[smem:$0x3FA8] =	sst s2  }
0xb: {  	[smem:$0x3FA9] =	sst s3  }
0xc: {  	[smem:$0x3FAA] =	sst s4  }
0xd: {  	[smem:$0x3FAB] =	sst s5  }
0xe: {  	[smem:$0x3FAC] =	sst s6  }
0xf: {  	[smem:$0x3FAD] =	sst s7  }
0x10: {  	[smem:$0x3FAE] =	sst s8  }
0x11: {  	[smem:$0x3FAF] =	sst s9;
	s0 =	simm.s32 @!p0 $0x0  }
0x12: {  	s1 =	sld [smem:$0x3F95];
	s0 =	simm.s32 @p0 $0x1  }
0x13: {  	[smem:$0x3FB0] =	sst s0;
	s0 =	simm.s32 @!p1 $0x0  }
0x14: {  	s2 =	sld [smem:$0x3F94];
	s0 =	simm.s32 @p1 $0x1  }
0x15: {  	[smem:$0x3FB1] =	sst s0;
	s0 =	simm.s32 @!p2 $0x0  }
0x16: {  	s3 =	sld [smem:$0x3FDB];
	s0 =	simm.s32 @p2 $0x1  }
0x17: {  	s4 =	simm.s32 $0x1BF5;
	[smem:$0x3FB3] =	sst s0  }
0x18: {  	s0 =	sld [smem:$0x3F96];
	_ =	swait.ge [sflag:s4], $0x0  }
0x19: {  	s7 =	sld [smem:$0x3F97]  }
0x1a: {  	s8 =	sadd.s32 $0xFFFFE003, lr  }
0x1b: {  	s9 =	sadd.s32 $0xFFFFFEF7, lr;
	s5 =	simm.s32 $0xFFFFFFFF;
	p2 =	slt.u32 s8, $0xFFFFF086  }
0x1c: {  	p1 =	slt.u32 s9, $0xF7A;
	s5 =	simm.s32 @!p2 $0x0  }
0x1d: {  	s5 =	simm.s32 @p1 $0x1;
	p0 =	seq.s32 s7, s2  }
0x1e: {  	s7 =	smul.u32 @!p0 $0xF7A, s2;
	p2 =	seq.s32 @!p0 s5, $0x0  }
0x1f: {  	s9 =	smul.u32 $0xF7A, s1;
	s8 =	simm.s32 @!p0 $0x1BF5;
	p2 =	por !p2, p0  }
0x20: {  	[sflag:s8] =	ssyncset.s32 @!p0 $0xFFFFF086;
	s6 =	sadd.s32 @!p0 s3, s7;
	s7 =	simm.s32 @!p0 $0x108  }
0x21: {  	s3 =	sadd.s32 s3, s9;
	s6 =	sadd.s32 @!p0 $0x88, s6;
	s7 =	simm.s32 @p2 $0x1082  }
0x22: {  	[simem:s7], [sflag:s8] =	dma.local @!p0 [hbm:s6], $0xF7A  }
0x23: {  	s9 =	sor.u32 $0xD0000000, s2;
	s6 =	simm.s32 $0x108;
	_ =	swait.ge @!p0 [sflag:s8], $0x0  }
0x24: {  	s3 =	sadd.s32 $0x88, s3;
	s6 =	simm.s32 @!p1 $0x1082;
	[sflag:s4] =	ssyncset.s32 $0xFFFFF086  }
0x25: {  	[simem:s6], [sflag:s4] =	dma.local [hbm:s3], $0xF7A  }
0x26: {  	[smem:$0x3F97] =	sst s1;
	(tag) =	ssettag s2;
	_ =	strace s9  }
0x27: {  	s1 =	sld [smem:$0x3FA7]  }
0x28: {  	s2 =	sld [smem:$0x3FA8]  }
0x29: {  	s4 =	sld [smem:$0x3FAA]  }
0x2a: {  	p0 =	seq.s32 s5, $0x0;
	s5 =	sld [smem:$0x3FAB]  }
0x2b: {  	s6 =	sld [smem:$0x3FAC]  }
0x2c: {  	s7 =	sld [smem:$0x3FAD]  }
0x2d: {  	s3 =	simm.s32 $0x108;
	s8 =	sld [smem:$0x3FAE]  }
0x2e: {  	s3 =	simm.s32 @!p0 $0x1082;
	s9 =	sld [smem:$0x3FAF]  }
0x2f: {  	lr =	sadd.s32 s0, s3;
	s0 =	sld [smem:$0x3FA6]  }
0x30: {  	s3 =	sld [smem:$0x3FA9]  }
0x31: {  	[smem:$0x3FB2] =	sst s10  }
0x32: {  	s10 =	sld [smem:$0x3FB0];
	_ =	sdelay $0x3  }
0x33: {  	p0 =	seq.s32 s10, $0x1;
	s10 =	sld [smem:$0x3FB2];
	_ =	sdelay $0x3  }
0x34: {  	[smem:$0x3FB2] =	sst s10  }
0x35: {  	s10 =	sld [smem:$0x3FB1];
	_ =	sdelay $0x3  }
0x36: {  	p1 =	seq.s32 s10, $0x1;
	s10 =	sld [smem:$0x3FB2];
	_ =	sdelay $0x3  }
0x37: {  	[smem:$0x3FB2] =	sst s10  }
0x38: {  	s10 =	sld [smem:$0x3FB3]  }
0x39: {  	_ = 	snop;
	(pc) =	sbr.ind lr, $3  }
0x3a: {  	_ = 	snop  }
0x3b: {  	_ = 	snop  }
0x3c: {  	p2 =	seq.s32 s10, $0x1;
	s10 =	sld [smem:$0x3FB2]  }
0x3d: {  	_ =	shalt  }
0x3e: {  	_ =	shalt  }
0x3f: {  	_ =	shalt  }
0x40: {  	_ =	shalt  }
0x41: {  	_ =	shalt  }
0x42: {  	_ =	shalt  }
0x43: {  	_ =	shalt  }
0x44: {  	_ =	shalt  }
0x45: {  	_ =	shalt  }
0x46: {  	_ =	shalt  }
0x47: {  	_ =	shalt  }
0x48: {  	_ =	shalt  }
0x49: {  	_ =	shalt  }
0x4a: {  	_ =	shalt  }
0x4b: {  	_ =	shalt  }
0x4c: {  	_ =	shalt  }
0x4d: {  	_ =	shalt  }
0x4e: {  	_ =	shalt  }
0x4f: {  	_ =	shalt  }
0x50: {  	_ =	shalt  }
0x51: {  	_ =	shalt  }
0x52: {  	_ =	shalt  }
0x53: {  	_ =	shalt  }
0x54: {  	_ =	shalt  }
0x55: {  	_ =	shalt  }
0x56: {  	_ =	shalt  }
0x57: {  	_ =	shalt  }
0x58: {  	_ =	shalt  }
0x59: {  	_ =	shalt  }
0x5a: {  	_ =	shalt  }
0x5b: {  	_ =	shalt  }
0x5c: {  	_ =	shalt  }
0x5d: {  	_ =	shalt  }
0x5e: {  	_ =	shalt  }
0x5f: {  	_ =	shalt  }
0x60: {  	_ =	shalt  }
0x61: {  	_ =	shalt  }
0x62: {  	_ =	shalt  }
0x63: {  	_ =	shalt  }
0x64: {  	_ =	shalt  }
0x65: {  	_ =	shalt  }
0x66: {  	_ =	shalt  }
0x67: {  	_ =	shalt  }
0x68: {  	_ =	shalt  }
0x69: {  	_ =	shalt  }
0x6a: {  	_ =	shalt  }
0x6b: {  	_ =	shalt  }
0x6c: {  	_ =	shalt  }
0x6d: {  	_ =	shalt  }
0x6e: {  	_ =	shalt  }
0x6f: {  	_ =	shalt  }
0x70: {  	_ =	shalt  }
0x71: {  	_ =	shalt  }
0x72: {  	_ =	shalt  }
0x73: {  	_ =	shalt  }
0x74: {  	_ =	shalt  }
0x75: {  	_ =	shalt  }
0x76: {  	_ =	shalt  }
0x77: {  	_ =	shalt  }
0x78: {  	_ =	shalt  }
0x79: {  	_ =	shalt  }
0x7a: {  	_ =	shalt  }
0x7b: {  	_ =	shalt  }
0x7c: {  	_ =	shalt  }
0x7d: {  	_ =	shalt  }
0x7e: {  	_ =	shalt  }
0x7f: {  	_ =	shalt  }
0x80: {  	_ =	shalt  }
0x81: {  	_ =	shalt  }
0x82: {  	_ =	shalt  }
0x83: {  	_ =	shalt  }
0x84: {  	_ =	shalt  }
0x85: {  	_ =	shalt  }
0x86: {  	_ =	shalt  }
0x87: {  	_ =	shalt  }
.Lfunc_end0:
.L_simem_size_0:
called_computation.1_lowered:
.L_overlay_start_0:
0x88: {  	s2 =	sld [smem:$0x3FD9]  }
0x89: {  	s3 =	sld [smem:$0x3FFE];
	_ =	sdelay $0x1  }
0x8a: {  	s1 =	srdreg.scid  }
0x8b: {  	s0 =	sand.u32 $0x1, s1  }
0x8c: {  	s17 =	sshll.u32 s0, $0xA;
	s2 =	sadd.s32 s3, s2  }
0x8d: {  	s2 =	sadd.s32 s2, s17  }
0x8e: {  	[smem:$0x3FBE] =	sst s2  }
0x8f: {  	_ = 	snop  }
0x90: {  	s2 =	sld [smem:$0x3FD0];
	(tm) =	ssettm $0x1  }
0x91: {  	s18 =	sld [smem:$0x3FFB];
	_ =	sdelay $0x3  }
0x92: {  	_ =	strace s18  }
0x93: {  	s3 =	sld [smem:$0x3FFC];
	_ =	sdelay $0x3  }
0x94: {  	_ =	strace s3  }
0x95: {  	s3 =	sld [smem:$0x3FFD];
	_ =	sdelay $0x3  }
0x96: {  	_ =	strace s3  }
0x97: {  	_ =	strace $0x8FFFFFFF  }
0x98: {  	s19 =	sld [smem:$0x3FDB];
	_ =	sdelay $0x1  }
0x99: {  	s4 =	simm.s32 $_scs_section_size  }
0x9a: {  	s5 =	simm.s32 $_size__tile_overlayer_lowered;
	s6 =	simm.s32 $_tile_overlayer_lowered  }
0x9b: {  	s22 =	simm.s32 $0x1BFF;
	s21 =	sshll.u32 s6, $0x1;
	s3 =	sadd.s32 s4, s19  }
0x9c: {  	s7 =	simm.s32 $0x0;
	s20 =	sshll.u32 s5, $0x1;
	s5 =	sadd.s32 s21, s3  }
0x9d: {  	[timem:s7], [sflag:s22] =	dma.local [hbm:s5], s20  }
0x9e: {  	_ =	swait.ge [sflag:s22], s20  }
0x9f: {  	s4 =	ssub.s32 $0x0, s20;
	[sflag:s22] =	ssyncset.done $0x0  }
0xa0: {  	[sflag:s22] =	ssyncadd.s32 s4;
	_ =	sdelay $0x1  }
0xa1: {  	s23 =	simm.s32 $0x1B8B  }
0xa2: {  	_ =	swait.ge [sflag:s23], $0x1  }
0xa3: {  	[sflag:s23] =	ssyncset.done $0x0  }
0xa4: {  	s25 =	simm.s32 $0x1B8E;
	s24 =	sld [smem:$0x3FFE];
	[sflag:s23] =	ssyncadd.s32 $0xFFFFFFFF  }
0xa5: {  	s26 =	simm.s32 $execute0_lowered;
	[smem:$0x3FD2] =	sst s25  }
0xa6: {  	s5 =	sshll.u32 s26, $0x1;
	_ =	strace $0x80000049;
	[dreg:$0x1] =	wrdreg $0xFFFFFFFF  }
0xa7: {  	s28 =	simm.s32 $_size_execute0_lowered;
	s3 =	sadd.s32 s3, s5;
	[dreg:$0x0] =	wrdreg $0x0  }
0xa8: {  	s5 =	sshll.u32 s28, $0x1;
	[dreg:$0x2] =	wrdreg s3  }
0xa9: {  	[dreg:$0x3] =	wrdreg s5  }
0xaa: {  	[dreg:$0x4] =	wrdreg $0xC0  }
0xab: {  	_ =	task [dreg:s7], $0x5FFFF  }
0xac: {  	[dreg:$0x1] =	wrdreg $0xFFFFFFFF  }
0xad: {  	[dreg:$0x0] =	wrdreg $0x60  }
0xae: {  	[dreg:$0x2] =	wrdreg s2  }
0xaf: {  	[dreg:$0x3] =	wrdreg s24  }
0xb0: {  	[dreg:$0x4] =	wrdreg $0x41000  }
0xb1: {  	[dreg:$0x5] =	wrdreg $0x9  }
0xb2: {  	_ =	task.clear_ibuf [dreg:s7], $0x6FFFF;
	_ =	strace $0x90000049  }
0xb3: {  	s29 =	simm.s32 $0x9;
	_ =	strace $0x8000004B  }
0xb4: {  	_ =	swait.ge [sflag:s29], $0x1  }
0xb5: {  	[sflag:s29] =	ssyncadd.s32 $0xFFFFFFFF  }
0xb6: {  	_ =	strace $0x9000004B  }
0xb7: {  	_ =	sfence  }
0xb8: {  	s30 =	sld [smem:$0x0];
	_ =	sdelay $0x2  }
0xb9: {  	s31 =	sshll.u32 s1, $0xD;
	s1 =	sshrl.u32 s1, $0x2  }
0xba: {  	s3 =	sand.u32 $0x4000, s31;
	s1 =	sadd.s32 s1, s30  }
0xbb: {  	s0 =	sor.u32 s3, s0;
	s1 =	sshll.u32 s1, $0x11  }
0xbc: {  	s0 =	sor.u32 s1, s0  }
0xbd: {  	s0 =	sadd.s32 $0x8F2B, s0  }
0xbe: {  	[sflag:s0] =	ssyncadd.remote.s32 $0x1  }
0xbf: {  	_ =	sfence.sel $0xFFFF  }
0xc0: {  	[dreg:$0x0] =	wrdreg $0xFFFFFFFF;
	(pc) =	sbr.abs _section_cstart, $3  }
0xc1: {  	[dreg:$0x1] =	wrdreg $0xFFFFFFFF  }
0xc2: {  	_ =	task.clear_ibuf [dreg:s7], $0x2FFFF;
	_ =	strace $0x9FFFFFFF  }
0xc3: {  	(tm) =	ssettm $0x7FFFFFFF  }
tec
execute0_lowered:
.L_overlay_start_1:
0x0: {  	(tag) =	ssettag $0x1  }
0x1: {  	s1 =	rddreg [dreg:$0x0]  }
0x2: {  	s0 =	srdreg.scid;
	s5 =	rddreg [dreg:$0x1]  }
0x3: {  	s3 =	rddreg [dreg:$0x2];
	s6 =	sand.u32 $0x1, s0  }
0x4: {  	s0 =	stileid.u32;
	s7 =	smul.u32 $0x4F000, s6  }
0x5: {  	s2 =	rddreg [dreg:$0x3];
	s4 =	simm.s32 $0x0;
	s8 =	smul.u32 $0x4F00, s0  }
0x6: {  	s13 =	simm.s32 $0x100;
	s14 =	simm.s32 $0x1;
	s9 =	smul.u32 $0x13C00, s0  }
0x7: {  	s15 =	simm.s32 $0x0;
	[smem:$0x7FF] =	sst s4;
	s25 =	smul.u32 $0x13C000, s6  }
0x8: {  	_ =	strace $0x8000004A;
	s6 =	ssub.s32 $0x2, s6;
	s28 =	smul.u32 $0x4F000, s0  }
0x9: {  	s31 =	sshll.u32 s0, $0x6;
	s29 =	sshrl.u32 s6, $0x1;
	s7 =	sadd.s32 s8, s7  }
0xa: {  	s26 =	sshrl.u32 s9, $0x3;
	s8 =	sadd.s32 s9, s25;
	s11 =	ssub.s32 s6, s29  }
0xb: {  	s30 =	sshrl.u32 s28, $0x2;
	s6 =	sor.u32 $0x1C02, s31;
	s7 =	sshrl.u32 s7, $0x3  }
0xc: {  	s8 =	sshrl.u32 s8, $0x3;
	s10 =	sadd.s32 s7, s5;
	s7 =	sadd.s32 s26, s5  }
0xd: {  	s12 =	sadd.s32 s30, s3;
	s8 =	sadd.s32 s8, s5;
	s5 =	sadd.s32 $0x17200, s7  }
0xe: {  	s7 =	sadd.s32 $0x3EA00, s8;
	s8 =	smax.u32 s11, $0x1;
	s9 =	sadd.s32 $0x3000, s10  }
0xf: {  	s10 =	sshrl.u32 s12, $0x3;
	s11 =	simm.s32 $0x2;
	s12 =	simm.s32 $0x80  }
.LBB2_1:
0x10: {  	[spmem:s10], [sflag:s6] =	dma.local [hbm:s5], $0x2780  }
0x11: {  	_ =	swait.ge [sflag:s11], $0x2780  }
0x12: {  	[sflag:s11] =	ssyncset.done $0x0  }
0x13: {  	[sflag:s11] =	ssyncadd.s32 $0xFFFFD880  }
0x14: {  	s16 =	sadd.s32 $0x0, s9;
	[bflag:$0x0] =	sbarrier.arrive $0xFFFF  }
0x15: {  	[tilespmem:s4], [sflag:$0x2] =	stream.linear.gather [hbm4b:s16+s4], $0x100, $0x38;
	[tilespmem:$0x17D00] =	vst v63  }
0x16: {  	_ =	swait.ge [sflag:s11], $0x100  }
0x17: {  	[sflag:s11] =	ssyncset.done $0x0  }
0x18: {  	[sflag:s11] =	ssyncadd.s32 $0xFFFFFF00  }
0x19: {  	[tilespmem:s13], [sflag:$0x1] =	stream.indirect.gather [hbm4b:s1+s12], $0x80, s4, s12, $0xb8;
	[tilespmem:$0x17D00] =	vst v63  }
0x1a: {  	_ =	swait.ge [sflag:s14], $0x4000  }
0x1b: {  	[sflag:s14] =	ssyncset.done $0x0  }
0x1c: {  	[sflag:s14] =	ssyncadd.s32 $0xFFFFC000  }
0x1d: {  	[spmem:s3] =	stream.indirect.scatter.add.f32 [tilespmem:s13], [sflag:$0x2], $0x80, s12, s12, $0xb8;
	[tilespmem:$0x17D00] =	vst v63  }
0x1e: {  	_ =	swait.ge [sflag:s11], $0x4000  }
0x1f: {  	s17 =	simm.s32 $0x40;
	s16 =	simm.s32 $0x20;
	[sflag:s11] =	ssyncset.done $0x0  }
.LBB2_2:
0x20: {  	s18 =	sadd.s32 s16, s9  }
0x21: {  	[sflag:s11] =	ssyncadd.s32 $0xFFFFC000;
	s16 =	smov.u32 s17;
	s19 =	sadd.s32 $0x20, s17  }
0x22: {  	[tilespmem:s4], [sflag:$0x2] =	stream.linear.gather [hbm4b:s18+s4], $0x100, $0x38;
	[tilespmem:$0x17D00] =	vst v63  }
0x23: {  	p0 =	sne.s32 s17, $0x9C0;
	_ =	swait.ge [sflag:s11], $0x100  }
0x24: {  	[sflag:s11] =	ssyncset.done $0x0  }
0x25: {  	[sflag:s11] =	ssyncadd.s32 $0xFFFFFF00  }
0x26: {  	[tilespmem:s13], [sflag:$0x1] =	stream.indirect.gather [hbm4b:s1+s12], $0x80, s4, s12, $0xb8;
	[tilespmem:$0x17D00] =	vst v63  }
0x27: {  	_ =	swait.ge [sflag:s14], $0x4000  }
.Ltmp0:
0x28: {  	[sflag:s14] =	ssyncset.done $0x0;
	(pc) =	sbr.rel @p0 .LBB2_2-.Ltmp0, $4  }
0x29: {  	[sflag:s14] =	ssyncadd.s32 $0xFFFFC000  }
0x2a: {  	[spmem:s3] =	stream.indirect.scatter.add.f32 [tilespmem:s13], [sflag:$0x2], $0x80, s12, s12, $0xb8;
	[tilespmem:$0x17D00] =	vst v63  }
0x2b: {  	_ =	swait.ge [sflag:s11], $0x4000  }
0x2c: {  	s17 =	smov.u32 s19;
	[sflag:s11] =	ssyncset.done $0x0  }
0x2d: {  	s16 =	sadd.s32 s16, s9;
	[sflag:s11] =	ssyncadd.s32 $0xFFFFC000  }
0x2e: {  	[tilespmem:s4], [sflag:$0x2] =	stream.linear.gather [hbm4b:s16+s4], $0x100, $0x38;
	[tilespmem:$0x17D00] =	vst v63  }
0x2f: {  	_ =	swait.ge [sflag:s11], $0x100  }
0x30: {  	[sflag:s11] =	ssyncset.done $0x0  }
0x31: {  	[sflag:s11] =	ssyncadd.s32 $0xFFFFFF00  }
0x32: {  	[tilespmem:s13], [sflag:$0x1] =	stream.indirect.gather [hbm4b:s1+s12], $0x80, s4, s12, $0xb8;
	[tilespmem:$0x17D00] =	vst v63  }
0x33: {  	_ =	swait.ge [sflag:s14], $0x4000  }
0x34: {  	[sflag:s14] =	ssyncset.done $0x0  }
0x35: {  	[sflag:s14] =	ssyncadd.s32 $0xFFFFC000  }
0x36: {  	[spmem:s3] =	stream.indirect.scatter.add.f32 [tilespmem:s13], [sflag:$0x2], $0x80, s12, s12, $0xb8;
	[tilespmem:$0x17D00] =	vst v63  }
0x37: {  	_ =	swait.ge [sflag:s11], $0x4000  }
0x38: {  	s15 =	sadd.s32 $0x1, s15;
	[sflag:s11] =	ssyncset.done $0x0  }
0x39: {  	p0 =	sne.s32 s15, s8;
	[sflag:s11] =	ssyncadd.s32 $0xFFFFC000  }
.Ltmp1:
0x3a: {  	[bflag:$0x0] =	sbarrier.arrive $0xFFFF;
	(pc) =	sbr.rel @p0 .LBB2_1-.Ltmp1, $4  }
0x3b: {  	[hbm:s7], [sflag:s6] =	dma.local [spmem:s10], $0x2780  }
0x3c: {  	_ =	swait.ge [sflag:s11], $0x2780  }
0x3d: {  	[sflag:s11] =	ssyncset.done $0x0  }
0x3e: {  	[sflag:s11] =	ssyncadd.s32 $0xFFFFD880  }
0x3f: {  	_ =	sfence.sel $0x180000  }
0x40: {  	[bflag:$0x0] =	sbarrier.arrive $0xFFFF  }
0x41: {  	p0 =	sne.s32 s0, $0x0;
	_ =	strace $0x9000004A  }
0x42: {  	s0 =	sadd.s32 @!p0 $0x100000, s2;
	[bflag:$0x2] =	sbarrier.arrive $0xFFFF  }
0x43: {  	[sflag:s0] =	ssyncadd.tile.s32 @!p0 $0x1;
	_ =	shalt  }
.Lfunc_end2:
_tile_overlayer_lowered:
.L_overlay_start_2:
0x44: {  	(tag) =	ssettag $0x2  }
0x45: {  	s0 =	rddreg [dreg:$0x0];
	s2 =	stileid.u32  }
0x46: {  	s1 =	rddreg [dreg:$0x1];
	p0 =	sne.s32 s2, $0x0  }
0x47: {  	s3 =	rddreg [dreg:$0x2];
	[bflag:$0x3] =	sbarrier.arrive $0xFFFF;
	s2 =	simm.s32 @!p0 $0x1C02  }
0x48: {  	[timem:s3], [sflag:s2] =	dma.local @!p0 [hbm:s0], s1  }
0x49: {  	s0 =	simm.s32 @!p0 $0x2  }
0x4a: {  	_ =	swait.ge @!p0 [sflag:s0], s1  }
0x4b: {  	s1 =	ssub.s32 @!p0 $0x0, s1;
	[sflag:s0] =	ssyncset.done @!p0 $0x0  }
0x4c: {  	[sflag:s0] =	ssyncadd.s32 @!p0 s1  }
0x4d: {  	[bflag:$0x3] =	sbarrier.arrive $0xFFFF  }
0x4e: {  	_ =	shalt  }

// kernel: kernel.7.cloned.1.call-start
scs
__scs_entry_jumppad:
0x0: {  	(pc) =	sbr.rel $0x88, $3  }
0x1: {  	(tag) =	ssettag $0x0;
	lr =	simm.s32 $0x1  }
0x2: {  	[smem:$0x3F97] =	sst lr;
	_ =	strace $0xD0000000  }
0x3: {  	_ = 	snop  }
0x4: {  	_ = 	snop  }
0x5: {  	_ = 	snop  }
0x6: {  	_ = 	snop  }
0x7: {  	_ = 	snop  }
__scs_overlays_trampoline_lowered:
0x8: {  	[smem:$0x3FA6] =	sst s0  }
0x9: {  	[smem:$0x3FA7] =	sst s1  }
0xa: {  	[smem:$0x3FA8] =	sst s2  }
0xb: {  	[smem:$0x3FA9] =	sst s3  }
0xc: {  	[smem:$0x3FAA] =	sst s4  }
0xd: {  	[smem:$0x3FAB] =	sst s5  }
0xe: {  	[smem:$0x3FAC] =	sst s6  }
0xf: {  	[smem:$0x3FAD] =	sst s7  }
0x10: {  	[smem:$0x3FAE] =	sst s8  }
0x11: {  	[smem:$0x3FAF] =	sst s9;
	s0 =	simm.s32 @!p0 $0x0  }
0x12: {  	s1 =	sld [smem:$0x3F95];
	s0 =	simm.s32 @p0 $0x1  }
0x13: {  	[smem:$0x3FB0] =	sst s0;
	s0 =	simm.s32 @!p1 $0x0  }
0x14: {  	s2 =	sld [smem:$0x3F94];
	s0 =	simm.s32 @p1 $0x1  }
0x15: {  	[smem:$0x3FB1] =	sst s0;
	s0 =	simm.s32 @!p2 $0x0  }
0x16: {  	s3 =	sld [smem:$0x3FDB];
	s0 =	simm.s32 @p2 $0x1  }
0x17: {  	s4 =	simm.s32 $0x1BF5;
	[smem:$0x3FB3] =	sst s0  }
0x18: {  	s0 =	sld [smem:$0x3F96];
	_ =	swait.ge [sflag:s4], $0x0  }
0x19: {  	s7 =	sld [smem:$0x3F97]  }
0x1a: {  	s8 =	sadd.s32 $0xFFFFE003, lr  }
0x1b: {  	s9 =	sadd.s32 $0xFFFFFEF7, lr;
	s5 =	simm.s32 $0xFFFFFFFF;
	p2 =	slt.u32 s8, $0xFFFFF086  }
0x1c: {  	p1 =	slt.u32 s9, $0xF7A;
	s5 =	simm.s32 @!p2 $0x0  }
0x1d: {  	s5 =	simm.s32 @p1 $0x1;
	p0 =	seq.s32 s7, s2  }
0x1e: {  	s7 =	smul.u32 @!p0 $0xF7A, s2;
	p2 =	seq.s32 @!p0 s5, $0x0  }
0x1f: {  	s9 =	smul.u32 $0xF7A, s1;
	s8 =	simm.s32 @!p0 $0x1BF5;
	p2 =	por !p2, p0  }
0x20: {  	[sflag:s8] =	ssyncset.s32 @!p0 $0xFFFFF086;
	s6 =	sadd.s32 @!p0 s3, s7;
	s7 =	simm.s32 @!p0 $0x108  }
0x21: {  	s3 =	sadd.s32 s3, s9;
	s6 =	sadd.s32 @!p0 $0x88, s6;
	s7 =	simm.s32 @p2 $0x1082  }
0x22: {  	[simem:s7], [sflag:s8] =	dma.local @!p0 [hbm:s6], $0xF7A  }
0x23: {  	s9 =	sor.u32 $0xD0000000, s2;
	s6 =	simm.s32 $0x108;
	_ =	swait.ge @!p0 [sflag:s8], $0x0  }
0x24: {  	s3 =	sadd.s32 $0x88, s3;
	s6 =	simm.s32 @!p1 $0x1082;
	[sflag:s4] =	ssyncset.s32 $0xFFFFF086  }
0x25: {  	[simem:s6], [sflag:s4] =	dma.local [hbm:s3], $0xF7A  }
0x26: {  	[smem:$0x3F97] =	sst s1;
	(tag) =	ssettag s2;
	_ =	strace s9  }
0x27: {  	s1 =	sld [smem:$0x3FA7]  }
0x28: {  	s2 =	sld [smem:$0x3FA8]  }
0x29: {  	s4 =	sld [smem:$0x3FAA]  }
0x2a: {  	p0 =	seq.s32 s5, $0x0;
	s5 =	sld [smem:$0x3FAB]  }
0x2b: {  	s6 =	sld [smem:$0x3FAC]  }
0x2c: {  	s7 =	sld [smem:$0x3FAD]  }
0x2d: {  	s3 =	simm.s32 $0x108;
	s8 =	sld [smem:$0x3FAE]  }
0x2e: {  	s3 =	simm.s32 @!p0 $0x1082;
	s9 =	sld [smem:$0x3FAF]  }
0x2f: {  	lr =	sadd.s32 s0, s3;
	s0 =	sld [smem:$0x3FA6]  }
0x30: {  	s3 =	sld [smem:$0x3FA9]  }
0x31: {  	[smem:$0x3FB2] =	sst s10  }
0x32: {  	s10 =	sld [smem:$0x3FB0];
	_ =	sdelay $0x3  }
0x33: {  	p0 =	seq.s32 s10, $0x1;
	s10 =	sld [smem:$0x3FB2];
	_ =	sdelay $0x3  }
0x34: {  	[smem:$0x3FB2] =	sst s10  }
0x35: {  	s10 =	sld [smem:$0x3FB1];
	_ =	sdelay $0x3  }
0x36: {  	p1 =	seq.s32 s10, $0x1;
	s10 =	sld [smem:$0x3FB2];
	_ =	sdelay $0x3  }
0x37: {  	[smem:$0x3FB2] =	sst s10  }
0x38: {  	s10 =	sld [smem:$0x3FB3]  }
0x39: {  	_ = 	snop;
	(pc) =	sbr.ind lr, $3  }
0x3a: {  	_ = 	snop  }
0x3b: {  	_ = 	snop  }
0x3c: {  	p2 =	seq.s32 s10, $0x1;
	s10 =	sld [smem:$0x3FB2]  }
0x3d: {  	_ =	shalt  }
0x3e: {  	_ =	shalt  }
0x3f: {  	_ =	shalt  }
0x40: {  	_ =	shalt  }
0x41: {  	_ =	shalt  }
0x42: {  	_ =	shalt  }
0x43: {  	_ =	shalt  }
0x44: {  	_ =	shalt  }
0x45: {  	_ =	shalt  }
0x46: {  	_ =	shalt  }
0x47: {  	_ =	shalt  }
0x48: {  	_ =	shalt  }
0x49: {  	_ =	shalt  }
0x4a: {  	_ =	shalt  }
0x4b: {  	_ =	shalt  }
0x4c: {  	_ =	shalt  }
0x4d: {  	_ =	shalt  }
0x4e: {  	_ =	shalt  }
0x4f: {  	_ =	shalt  }
0x50: {  	_ =	shalt  }
0x51: {  	_ =	shalt  }
0x52: {  	_ =	shalt  }
0x53: {  	_ =	shalt  }
0x54: {  	_ =	shalt  }
0x55: {  	_ =	shalt  }
0x56: {  	_ =	shalt  }
0x57: {  	_ =	shalt  }
0x58: {  	_ =	shalt  }
0x59: {  	_ =	shalt  }
0x5a: {  	_ =	shalt  }
0x5b: {  	_ =	shalt  }
0x5c: {  	_ =	shalt  }
0x5d: {  	_ =	shalt  }
0x5e: {  	_ =	shalt  }
0x5f: {  	_ =	shalt  }
0x60: {  	_ =	shalt  }
0x61: {  	_ =	shalt  }
0x62: {  	_ =	shalt  }
0x63: {  	_ =	shalt  }
0x64: {  	_ =	shalt  }
0x65: {  	_ =	shalt  }
0x66: {  	_ =	shalt  }
0x67: {  	_ =	shalt  }
0x68: {  	_ =	shalt  }
0x69: {  	_ =	shalt  }
0x6a: {  	_ =	shalt  }
0x6b: {  	_ =	shalt  }
0x6c: {  	_ =	shalt  }
0x6d: {  	_ =	shalt  }
0x6e: {  	_ =	shalt  }
0x6f: {  	_ =	shalt  }
0x70: {  	_ =	shalt  }
0x71: {  	_ =	shalt  }
0x72: {  	_ =	shalt  }
0x73: {  	_ =	shalt  }
0x74: {  	_ =	shalt  }
0x75: {  	_ =	shalt  }
0x76: {  	_ =	shalt  }
0x77: {  	_ =	shalt  }
0x78: {  	_ =	shalt  }
0x79: {  	_ =	shalt  }
0x7a: {  	_ =	shalt  }
0x7b: {  	_ =	shalt  }
0x7c: {  	_ =	shalt  }
0x7d: {  	_ =	shalt  }
0x7e: {  	_ =	shalt  }
0x7f: {  	_ =	shalt  }
0x80: {  	_ =	shalt  }
0x81: {  	_ =	shalt  }
0x82: {  	_ =	shalt  }
0x83: {  	_ =	shalt  }
0x84: {  	_ =	shalt  }
0x85: {  	_ =	shalt  }
0x86: {  	_ =	shalt  }
0x87: {  	_ =	shalt  }
.Lfunc_end0:
.L_simem_size_0:
called_computation_lowered:
.L_overlay_start_0:
0x88: {  	s2 =	sld [smem:$0x3FD9]  }
0x89: {  	s3 =	sld [smem:$0x3FFE];
	_ =	sdelay $0x1  }
0x8a: {  	s1 =	srdreg.scid  }
0x8b: {  	s0 =	sand.u32 $0x1, s1  }
0x8c: {  	s17 =	sshll.u32 s0, $0xA;
	s2 =	sadd.s32 s3, s2  }
0x8d: {  	s2 =	sadd.s32 s2, s17  }
0x8e: {  	[smem:$0x3FBE] =	sst s2  }
0x8f: {  	_ = 	snop  }
0x90: {  	s2 =	sld [smem:$0x3FD0];
	(tm) =	ssettm $0x1  }
0x91: {  	s18 =	sld [smem:$0x3FFB];
	_ =	sdelay $0x3  }
0x92: {  	_ =	strace s18  }
0x93: {  	s3 =	sld [smem:$0x3FFC];
	_ =	sdelay $0x3  }
0x94: {  	_ =	strace s3  }
0x95: {  	s3 =	sld [smem:$0x3FFD];
	_ =	sdelay $0x3  }
0x96: {  	_ =	strace s3  }
0x97: {  	_ =	strace $0x8FFFFFFF  }
0x98: {  	s19 =	sld [smem:$0x3FDB];
	_ =	sdelay $0x1  }
0x99: {  	s4 =	simm.s32 $_scs_section_size  }
0x9a: {  	s5 =	simm.s32 $_size__tile_overlayer_lowered;
	s6 =	simm.s32 $_tile_overlayer_lowered  }
0x9b: {  	s22 =	simm.s32 $0x1BFF;
	s21 =	sshll.u32 s6, $0x1;
	s3 =	sadd.s32 s4, s19  }
0x9c: {  	s7 =	simm.s32 $0x0;
	s20 =	sshll.u32 s5, $0x1;
	s5 =	sadd.s32 s21, s3  }
0x9d: {  	[timem:s7], [sflag:s22] =	dma.local [hbm:s5], s20  }
0x9e: {  	_ =	swait.ge [sflag:s22], s20  }
0x9f: {  	s4 =	ssub.s32 $0x0, s20;
	[sflag:s22] =	ssyncset.done $0x0  }
0xa0: {  	[sflag:s22] =	ssyncadd.s32 s4;
	_ =	sdelay $0x1  }
0xa1: {  	s23 =	simm.s32 $0x1B8B  }
0xa2: {  	_ =	swait.ge [sflag:s23], $0x1  }
0xa3: {  	[sflag:s23] =	ssyncset.done $0x0  }
0xa4: {  	s25 =	simm.s32 $0x1B8E;
	s24 =	sld [smem:$0x3FFE];
	[sflag:s23] =	ssyncadd.s32 $0xFFFFFFFF  }
0xa5: {  	s26 =	simm.s32 $execute0_lowered;
	[smem:$0x3FD2] =	sst s25  }
0xa6: {  	s5 =	sshll.u32 s26, $0x1;
	_ =	strace $0x80000046;
	[dreg:$0x1] =	wrdreg $0xFFFFFFFF  }
0xa7: {  	s28 =	simm.s32 $_size_execute0_lowered;
	s3 =	sadd.s32 s3, s5;
	[dreg:$0x0] =	wrdreg $0x0  }
0xa8: {  	s5 =	sshll.u32 s28, $0x1;
	[dreg:$0x2] =	wrdreg s3  }
0xa9: {  	[dreg:$0x3] =	wrdreg s5  }
0xaa: {  	[dreg:$0x4] =	wrdreg $0xC0  }
0xab: {  	_ =	task [dreg:s7], $0x5FFFF  }
0xac: {  	[dreg:$0x1] =	wrdreg $0xFFFFFFFF  }
0xad: {  	[dreg:$0x0] =	wrdreg $0x60  }
0xae: {  	[dreg:$0x2] =	wrdreg s2  }
0xaf: {  	[dreg:$0x3] =	wrdreg s24  }
0xb0: {  	[dreg:$0x4] =	wrdreg $0x44000  }
0xb1: {  	[dreg:$0x5] =	wrdreg $0x180000  }
0xb2: {  	[dreg:$0x6] =	wrdreg $0x9  }
0xb3: {  	_ =	task.clear_ibuf [dreg:s7], $0x7FFFF;
	_ =	strace $0x90000046  }
0xb4: {  	s29 =	simm.s32 $0x9;
	_ =	strace $0x80000048  }
0xb5: {  	_ =	swait.ge [sflag:s29], $0x1  }
0xb6: {  	[sflag:s29] =	ssyncadd.s32 $0xFFFFFFFF  }
0xb7: {  	_ =	strace $0x90000048  }
0xb8: {  	_ =	sfence  }
0xb9: {  	s30 =	sld [smem:$0x0];
	_ =	sdelay $0x2  }
0xba: {  	s31 =	sshll.u32 s1, $0xD;
	s1 =	sshrl.u32 s1, $0x2  }
0xbb: {  	s3 =	sand.u32 $0x4000, s31;
	s1 =	sadd.s32 s1, s30  }
0xbc: {  	s0 =	sor.u32 s3, s0;
	s1 =	sshll.u32 s1, $0x11  }
0xbd: {  	s0 =	sor.u32 s1, s0  }
0xbe: {  	s0 =	sadd.s32 $0x8F2B, s0  }
0xbf: {  	[sflag:s0] =	ssyncadd.remote.s32 $0x1  }
0xc0: {  	_ =	sfence.sel $0xFFFF  }
0xc1: {  	[dreg:$0x0] =	wrdreg $0xFFFFFFFF;
	(pc) =	sbr.abs _section_cstart, $3  }
0xc2: {  	[dreg:$0x1] =	wrdreg $0xFFFFFFFF  }
0xc3: {  	_ =	task.clear_ibuf [dreg:s7], $0x2FFFF;
	_ =	strace $0x9FFFFFFF  }
0xc4: {  	(tm) =	ssettm $0x7FFFFFFF  }
0xc5: {  	_ =	shalt  }
tec
execute0_lowered:
.L_overlay_start_1:
0x0: {  	(tag) =	ssettag $0x1  }
0x1: {  	s0 =	rddreg [dreg:$0x0]  }
0x2: {  	s6 =	rddreg [dreg:$0x1]  }
0x3: {  	s1 =	srdreg.scid;
	s3 =	rddreg [dreg:$0x2]  }
0x4: {  	s4 =	rddreg [dreg:$0x3];
	s7 =	sand.u32 $0x1, s1  }
0x5: {  	s1 =	stileid.u32;
	s8 =	smul.u32 $0x4F000, s7  }
0x6: {  	s2 =	rddreg [dreg:$0x4];
	s5 =	simm.s32 $0x0;
	s9 =	smul.u32 $0x4F00, s1  }
0x7: {  	s16 =	simm.s32 $0x4180;
	s17 =	simm.s32 $0x80;
	s10 =	smul.u32 $0x13C00, s1  }
0x8: {  	s18 =	simm.s32 $0x100;
	s19 =	simm.s32 $0x1;
	s26 =	smul.u32 $0x278, s1  }
0x9: {  	s20 =	simm.s32 $0x4100;
	[smem:$0x7FF] =	sst s5;
	s11 =	smul.u32 $0x13C000, s7  }
0xa: {  	s21 =	simm.s32 $0x0;
	_ =	strace $0x80000047;
	s29 =	smul.u32 $0x2780, s7  }
0xb: {  	s7 =	ssub.s32 $0x2, s7;
	s14 =	smul.u32 $0x4F000, s1;
	s31 =	sshll.u32 s1, $0x6  }
0xc: {  	s15 =	sshrl.u32 s7, $0x1;
	s8 =	sadd.s32 s9, s8;
	s28 =	sshrl.u32 s10, $0x3  }
0xd: {  	s12 =	sshrl.u32 s26, $0x3;
	s10 =	sadd.s32 s10, s11;
	s11 =	sadd.s32 s26, s29  }
0xe: {  	s15 =	ssub.s32 s7, s15;
	s30 =	sshrl.u32 s14, $0x2;
	s7 =	sor.u32 $0x1C02, s31  }
0xf: {  	s9 =	sadd.s32 s26, s4;
	s8 =	sshrl.u32 s8, $0x3;
	s12 =	sadd.s32 s12, s6  }
0x10: {  	s10 =	sshrl.u32 s10, $0x3;
	s11 =	sshrl.u32 s11, $0x3;
	s14 =	sadd.s32 s30, s3  }
0x11: {  	s13 =	sadd.s32 s8, s6;
	s8 =	sadd.s32 s28, s6;
	s10 =	sadd.s32 s10, s6  }
0x12: {  	s11 =	sadd.s32 s11, s6;
	s14 =	sshrl.u32 s14, $0x3;
	s6 =	sadd.s32 $0x17200, s8  }
0x13: {  	s8 =	sadd.s32 $0x16C00, s12;
	s10 =	sadd.s32 $0x3F400, s10;
	s11 =	sadd.s32 $0x3EA00, s11  }
0x14: {  	v0 =	vimm.f32 $1.000000000e+00;
	s12 =	smax.u32 s15, $0x1;
	s13 =	sadd.s32 $0x3000, s13;
	s15 =	simm.s32 $0x2  }
.LBB2_1:
0x15: {  	[spmem:s14], [sflag:s7] =	dma.local [hbm:s6], $0x2780  }
0x16: {  	_ =	swait.ge [sflag:s15], $0x2780  }
0x17: {  	[sflag:s15] =	ssyncset.done $0x0  }
0x18: {  	[sflag:s15] =	ssyncadd.s32 $0xFFFFD880  }
0x19: {  	[tilespmem:s16], [sflag:$0x2] =	stream.linear.gather [hbm4b:s8+s5], $0x278, $0x38;
	[tilespmem:$0x18278] =	vst v63  }
0x1a: {  	_ =	swait.ge [sflag:s15], $0x278  }
0x1b: {  	[sflag:s15] =	ssyncset.done $0x0  }
0x1c: {  	[sflag:s15] =	ssyncadd.s32 $0xFFFFFD88  }
0x1d: {  	[spmem:s9] =	stream.linear.scatter [tilespmem:s16], [sflag:$0x2], $0x278, $0x38;
	[tilespmem:$0x18278] =	vst v63  }
0x1e: {  	_ =	swait.ge [sflag:s15], $0x278  }
0x1f: {  	[sflag:s15] =	ssyncset.done $0x0  }
0x20: {  	[sflag:s15] =	ssyncadd.s32 $0xFFFFFD88  }
0x21: {  	[tilespmem:$0x4100] =	vst v0  }
0x22: {  	[tilespmem:$0x4110] =	vst v0  }
0x23: {  	[tilespmem:$0x4120] =	vst v0  }
0x24: {  	[tilespmem:$0x4130] =	vst v0  }
0x25: {  	[tilespmem:$0x4140] =	vst v0  }
0x26: {  	[tilespmem:$0x4150] =	vst v0  }
0x27: {  	[tilespmem:$0x4160] =	vst v0  }
0x28: {  	[tilespmem:$0x4170] =	vst v0  }
0x29: {  	s22 =	sadd.s32 $0x0, s13;
	[bflag:$0x0] =	sbarrier.arrive $0xFFFF  }
0x2a: {  	[tilespmem:s5], [sflag:$0x2] =	stream.linear.gather [hbm4b:s22+s5], $0x100, $0x38;
	[tilespmem:$0x18278] =	vst v63  }
0x2b: {  	_ =	swait.ge [sflag:s15], $0x100  }
0x2c: {  	[sflag:s15] =	ssyncset.done $0x0  }
0x2d: {  	[sflag:s15] =	ssyncadd.s32 $0xFFFFFF00  }
0x2e: {  	[tilespmem:s18], [sflag:$0x1] =	stream.indirect.gather [hbm4b:s0+s17], $0x80, s5, s17, $0xb8;
	[tilespmem:$0x18278] =	vst v63  }
0x2f: {  	_ =	swait.ge [sflag:s19], $0x4000  }
0x30: {  	[sflag:s19] =	ssyncset.done $0x0  }
0x31: {  	[sflag:s19] =	ssyncadd.s32 $0xFFFFC000  }
0x32: {  	[spmem:s3] =	stream.indirect.scatter.add.f32 [tilespmem:s18], [sflag:$0x2], $0x80, s17, s17, $0xb8;
	[tilespmem:$0x18278] =	vst v63  }
0x33: {  	_ =	swait.ge [sflag:s15], $0x4000  }
0x34: {  	[sflag:s15] =	ssyncset.done $0x0  }
0x35: {  	[sflag:s15] =	ssyncadd.s32 $0xFFFFC000  }
0x36: {  	[spmem:s4] =	stream.indirect.scatter.add.f32 [tilespmem:s20], [sflag:$0x2], $0x1, s17, s17, $0xb8;
	[tilespmem:$0x18278] =	vst v63  }
0x37: {  	_ =	swait.ge [sflag:s15], $0x80  }
0x38: {  	s23 =	simm.s32 $0x40;
	s22 =	simm.s32 $0x20;
	[sflag:s15] =	ssyncset.done $0x0  }
.LBB2_2:
0x39: {  	s24 =	sadd.s32 s22, s13  }
0x3a: {  	[sflag:s15] =	ssyncadd.s32 $0xFFFFFF80;
	s22 =	smov.u32 s23;
	s25 =	sadd.s32 $0x20, s23  }
0x3b: {  	[tilespmem:s5], [sflag:$0x2] =	stream.linear.gather [hbm4b:s24+s5], $0x100, $0x38;
	[tilespmem:$0x18278] =	vst v63  }
0x3c: {  	p0 =	sne.s32 s23, $0x9C0;
	_ =	swait.ge [sflag:s15], $0x100  }
0x3d: {  	[sflag:s15] =	ssyncset.done $0x0  }
0x3e: {  	[sflag:s15] =	ssyncadd.s32 $0xFFFFFF00  }
0x3f: {  	[tilespmem:s18], [sflag:$0x1] =	stream.indirect.gather [hbm4b:s0+s17], $0x80, s5, s17, $0xb8;
	[tilespmem:$0x18278] =	vst v63  }
0x40: {  	_ =	swait.ge [sflag:s19], $0x4000  }
0x41: {  	[sflag:s19] =	ssyncset.done $0x0  }
0x42: {  	[sflag:s19] =	ssyncadd.s32 $0xFFFFC000  }
0x43: {  	[spmem:s3] =	stream.indirect.scatter.add.f32 [tilespmem:s18], [sflag:$0x2], $0x80, s17, s17, $0xb8;
	[tilespmem:$0x18278] =	vst v63  }
0x44: {  	_ =	swait.ge [sflag:s15], $0x4000  }
.Ltmp0:
0x45: {  	[sflag:s15] =	ssyncset.done $0x0;
	(pc) =	sbr.rel @p0 .LBB2_2-.Ltmp0, $4  }
0x46: {  	[sflag:s15] =	ssyncadd.s32 $0xFFFFC000  }
0x47: {  	[spmem:s4] =	stream.indirect.scatter.add.f32 [tilespmem:s20], [sflag:$0x2], $0x1, s17, s17, $0xb8;
	[tilespmem:$0x18278] =	vst v63  }
0x48: {  	_ =	swait.ge [sflag:s15], $0x80  }
0x49: {  	s23 =	smov.u32 s25;
	[sflag:s15] =	ssyncset.done $0x0  }
0x4a: {  	s22 =	sadd.s32 s22, s13;
	[sflag:s15] =	ssyncadd.s32 $0xFFFFFF80  }
0x4b: {  	[tilespmem:s5], [sflag:$0x2] =	stream.linear.gather [hbm4b:s22+s5], $0x100, $0x38;
	[tilespmem:$0x18278] =	vst v63  }
0x4c: {  	_ =	swait.ge [sflag:s15], $0x100  }
0x4d: {  	[sflag:s15] =	ssyncset.done $0x0  }
0x4e: {  	[sflag:s15] =	ssyncadd.s32 $0xFFFFFF00  }
0x4f: {  	[tilespmem:s18], [sflag:$0x1] =	stream.indirect.gather [hbm4b:s0+s17], $0x80, s5, s17, $0xb8;
	[tilespmem:$0x18278] =	vst v63  }
0x50: {  	_ =	swait.ge [sflag:s19], $0x4000  }
0x51: {  	[sflag:s19] =	ssyncset.done $0x0  }
0x52: {  	[sflag:s19] =	ssyncadd.s32 $0xFFFFC000  }
0x53: {  	[spmem:s3] =	stream.indirect.scatter.add.f32 [tilespmem:s18], [sflag:$0x2], $0x80, s17, s17, $0xb8;
	[tilespmem:$0x18278] =	vst v63  }
0x54: {  	_ =	swait.ge [sflag:s15], $0x4000  }
0x55: {  	[sflag:s15] =	ssyncset.done $0x0  }
0x56: {  	[sflag:s15] =	ssyncadd.s32 $0xFFFFC000  }
0x57: {  	[spmem:s4] =	stream.indirect.scatter.add.f32 [tilespmem:s20], [sflag:$0x2], $0x1, s17, s17, $0xb8;
	[tilespmem:$0x18278] =	vst v63  }
0x58: {  	_ =	swait.ge [sflag:s15], $0x80  }
0x59: {  	[sflag:s15] =	ssyncset.done $0x0  }
0x5a: {  	[sflag:s15] =	ssyncadd.s32 $0xFFFFFF80  }
0x5b: {  	[bflag:$0x0] =	sbarrier.arrive $0xFFFF  }
0x5c: {  	[hbm:s10], [sflag:s7] =	dma.local [spmem:s14], $0x2780  }
0x5d: {  	_ =	swait.ge [sflag:s15], $0x2780  }
0x5e: {  	[sflag:s15] =	ssyncset.done $0x0  }
0x5f: {  	[sflag:s15] =	ssyncadd.s32 $0xFFFFD880  }
0x60: {  	[tilespmem:s16], [sflag:$0x2] =	stream.linear.gather [spmem:s9], $0x278, $0x38;
	[tilespmem:$0x18278] =	vst v63  }
0x61: {  	s21 =	sadd.s32 $0x1, s21;
	_ =	swait.ge [sflag:s15], $0x278  }
0x62: {  	p0 =	sne.s32 s21, s12;
	[sflag:s15] =	ssyncset.done $0x0  }
.Ltmp1:
0x63: {  	[sflag:s15] =	ssyncadd.s32 $0xFFFFFD88;
	(pc) =	sbr.rel @p0 .LBB2_1-.Ltmp1, $4  }
0x64: {  	[hbm4b:s11+s5] =	stream.linear.scatter [tilespmem:s16], [sflag:$0x2], $0x278, $0x38;
	[tilespmem:$0x18278] =	vst v63  }
0x65: {  	_ =	swait.ge [sflag:s15], $0x278  }
0x66: {  	[sflag:s15] =	ssyncset.done $0x0  }
0x67: {  	[sflag:s15] =	ssyncadd.s32 $0xFFFFFD88  }
0x68: {  	_ =	sfence.sel $0x180000  }
0x69: {  	[bflag:$0x0] =	sbarrier.arrive $0xFFFF  }
0x6a: {  	p0 =	sne.s32 s1, $0x0;
	_ =	strace $0x90000047  }
0x6b: {  	s0 =	sadd.s32 @!p0 $0x100000, s2;
	[bflag:$0x2] =	sbarrier.arrive $0xFFFF  }
0x6c: {  	[sflag:s0] =	ssyncadd.tile.s32 @!p0 $0x1;
	_ =	shalt  }
.Lfunc_end2:
_tile_overlayer_lowered:
.L_overlay_start_2:
0x6d: {  	(tag) =	ssettag $0x2  }
0x6e: {  	s0 =	rddreg [dreg:$0x0];
	s2 =	stileid.u32  }
0x6f: {  	s1 =	rddreg [dreg:$0x1];
	p0 =	sne.s32 s2, $0x0  }
0x70: {  	s3 =	rddreg [dreg:$0x2];
	[bflag:$0x3] =	sbarrier.arrive $0xFFFF;
	s2 =	simm.s32 @!p0 $0x1C02  }
0x71: {  	[timem:s3], [sflag:s2] =	dma.local @!p0 [hbm:s0], s1  }
0x72: {  	s0 =	simm.s32 @!p0 $0x2  }
0x73: {  	_ =	swait.ge @!p0 [sflag:s0], s1  }
0x74: {  	s1 =	ssub.s32 @!p0 $0x0, s1;
	[sflag:s0] =	ssyncset.done @!p0 $0x0  }
0x75: {  	[sflag:s0] =	ssyncadd.s32 @!p0 s1  }
0x76: {  	[bflag:$0x3] =	sbarrier.arrive $0xFFFF  }
0x77: {  	_ =	shalt  }

</sc_bundles>
